<compile_context>
chip_gen: v7x
topology: tpu7x:2x2x1
jax: 0.10.2.dev20260603
libtpu: 0.0.44.dev20260713+nightly
codegen_flags: <defaults>
</compile_context>

<pallas_src>
import functools

import numpy as np
import jax
import jax.numpy as jnp
from jax import lax
from jax.experimental import pallas as pl
from jax.experimental.pallas import tpu as pltpu
from jax.experimental.pallas import tpu_sc as plsc

_K0 = np.uint32(0)
_K1 = np.uint32(1)
_K2 = np.uint32(int(_K0) ^ int(_K1) ^ 0x1BD11BDA)
_ROT = ((13, 15, 26, 6), (17, 29, 16, 24))

_B, _H, _W = 64, 1024, 512
_RB = 1024
_GRID = (_B, _H // _RB)

_U_LO = np.float32(np.nextafter(np.float32(-1.0), np.float32(0.0)))
_C = np.float32(0.62147385)
_PG = (462.2859191894531, -179.91043090820312, -48.60850524902344,
       3.161179304122925, 22.437999725341797, -14.577473640441895,
       7.130136013031006, -2.9441678524017334,
       1.802288293838501)


def _threefry_bits(x1):
    ks = (_K0, _K1, _K2)
    x0 = x1
    x1 = ((x1 << np.uint32(13)) | (x1 >> np.uint32(19))) ^ x0
    for i in range(5):
        for r in _ROT[i % 2][1 if i == 0 else 0:]:
            x0 = x0 + x1
            x1 = ((x1 << np.uint32(r)) | (x1 >> np.uint32(32 - r))) ^ x0
        if int(ks[(i + 1) % 3]) != 0:
            x0 = x0 + ks[(i + 1) % 3]
        x1 = x1 + np.uint32((int(ks[(i + 2) % 3]) + i + 1) & 0xFFFFFFFF)
    return x0 ^ x1


def _std_normal(idx):
    bits = _threefry_bits(idx)
    f = jax.lax.bitcast_convert_type(
        (bits >> np.uint32(9)) | np.uint32(0x40000000), jnp.float32)
    u = jnp.maximum(_U_LO, f - np.float32(3.0))
    z = jax.lax.rsqrt(np.float32(1.0) - jnp.log(np.float32(1.0) - u * u))
    y = z - _C
    p = jnp.full_like(y, _PG[0])
    for c in _PG[1:]:
        p = p * y + np.float32(c)
    return u * p


_RC = 128


@functools.lru_cache(maxsize=1)
def _sc_gather_fn():
    mesh = plsc.VectorSubcoreMesh(core_axis_name="c", subcore_axis_name="s")

    @functools.partial(
        pl.kernel,
        mesh=mesh,
        out_type=jax.ShapeDtypeStruct((_B,), jnp.float32),
        scratch_types=[
            pltpu.VMEM((_B,), jnp.int32),
            pltpu.VMEM((_B,), jnp.float32),
            pltpu.SemaphoreType.DMA,
        ],
    )
    def _sc_gather(t_hbm, a_hbm, out_hbm, idx_v, vals_v, sem):
        @pl.when((lax.axis_index("c") == 0) & (lax.axis_index("s") == 0))
        def _():
            pltpu.sync_copy(t_hbm, idx_v)
            pltpu.async_copy(a_hbm.at[idx_v], vals_v, sem).wait()
            pltpu.sync_copy(vals_v, out_hbm)

    return _sc_gather


def _noise_kernel(abar_ref, x0_ref, xt_ref, eps_ref):
    b = pl.program_id(0)
    rb = pl.program_id(1)
    abar = abar_ref[b]
    s0 = jnp.sqrt(abar)
    s1 = jnp.sqrt(np.float32(1.0) - abar)
    base1 = (b * np.int32(_H * _W) + rb * np.int32(_RB * _W)
             + np.int32(int(_K1))).astype(jnp.uint32)
    row = jax.lax.broadcasted_iota(jnp.uint32, (1, _RC, _W), 1)
    col = jax.lax.broadcasted_iota(jnp.uint32, (1, _RC, _W), 2)
    local = row * np.uint32(_W) + col

    def body(c, _):
        sl = pl.ds(c * _RC, _RC)
        idx = (base1 + (c * np.int32(_RC * _W)).astype(jnp.uint32)) + local
        eps = _std_normal(idx)
        eps_ref[:, sl, :] = eps
        xt_ref[:, sl, :] = s0 * x0_ref[:, sl, :] + s1 * eps
        return _

    jax.lax.fori_loop(0, _RB // _RC, body, 0, unroll=4)


def kernel(x0, t, alphas_cumprod):
    abar = _sc_gather_fn()(t, alphas_cumprod)
    blk = pl.BlockSpec((1, _RB, _W), lambda b, r: (b, r, 0))
    out = jax.ShapeDtypeStruct((_B, _H, _W), jnp.float32)
    x_t, eps = pl.pallas_call(
        _noise_kernel,
        grid=_GRID,
        in_specs=[
            pl.BlockSpec(memory_space=pltpu.SMEM),
            blk,
        ],
        out_specs=[blk, blk],
        out_shape=[out, out],
    )(abar, x0)
    return (x_t, eps)

# --- scband reference (transcript-rebuilt; emitter-appended) ---
"""Pipeline reference for scband-cosine-noise-scheduler-56633438765500 (READ-ONLY COPY).

The authoritative reference and input builder live on the scoring server;
editing this copy changes nothing except your own understanding.
"""

import math
import jax, jax.numpy as jnp
import numpy as np

T = 1000
S = 0.008

def make_schedule(T=T, s=S):
    t = np.arange(T + 1, dtype=np.float64)
    f = np.cos((t / T + s) / (1.0 + s) * math.pi / 2.0) ** 2
    alphas_bar = f / f[0]
    betas = np.clip(1.0 - alphas_bar[1:] / alphas_bar[:-1], None, 0.999)
    alphas = 1.0 - betas
    alphas_cumprod = np.cumprod(alphas)
    return jnp.asarray(alphas_cumprod, dtype=jnp.float32)

def setup_inputs(seed: int = 0) -> dict:
    key = jax.random.key(seed)
    k1, k2 = jax.random.split(key)
    x0 = jax.random.normal(k1, (64, 1024, 512), dtype=jnp.float32)
    t = jax.random.randint(k2, (64,), 0, T, dtype=jnp.int32)
    alphas_cumprod = make_schedule()
    return {"x0": x0, "t": t, "alphas_cumprod": alphas_cumprod}

def reference(x0, t, alphas_cumprod):
    # add_noise: q(x_t | x_0) = sqrt(abar_t)*x0 + sqrt(1-abar_t)*eps
    abar = jnp.take(alphas_cumprod, t, axis=0).reshape(-1, 1, 1)
    eps = jax.random.normal(jax.random.key(1), x0.shape, dtype=x0.dtype)
    x_t = jnp.sqrt(abar) * x0 + jnp.sqrt(1.0 - abar) * eps
    return (x_t, eps)

if __name__ == "__main__":
    import jax
    _d = setup_inputs()
    print(jax.jit(kernel)(*tuple(_d.values())))

</pallas_src>

<mosaic_0001>
#map = affine_map<(d0, d1) -> (0)>
module attributes {stable_mosaic.version = 14 : i64} {
  func.func @_sc_gather(%arg0: i32, %arg1: i32, %arg2: memref<64xi32, #tpu.memory_space<hbm>>, %arg3: memref<1000xf32, #tpu.memory_space<hbm>>, %arg4: memref<64xf32, #tpu.memory_space<hbm>>, %arg5: memref<64xi32, #tpu.memory_space<vmem>>, %arg6: memref<64xf32, #tpu.memory_space<vmem>>, %arg7: memref<!tpu.dma_semaphore, #tpu.memory_space<semaphore_mem>>) attributes {dimension_semantics = [#tpu.dimension_semantics<core_parallel>, #tpu.dimension_semantics<subcore_parallel>], iteration_bounds = array<i64: 2, 16>, scalar_prefetch = 0 : i64, scratch_operands = 3 : i64, tpu.core_type = #tpu.core_type<sc_vector_subcore>, window_params = [{transform_indices = #map}, {transform_indices = #map}, {transform_indices = #map}]} {
    %eq3A = arith.constant 0 : i32
    %eq3A_0 = arith.cmpi eq, %arg0, %eq3A : i32
    %eq3A_1 = arith.constant 0 : i32
    %eq3A_2 = arith.cmpi eq, %arg1, %eq3A_1 : i32
    %and3A = arith.andi %eq3A_0, %eq3A_2 : i1
    %convert_element_type3A = arith.extui %and3A : i1 to i32
    %cond3A = arith.constant 0 : i32
    %cond3A_3 = arith.cmpi ne, %convert_element_type3A, %cond3A : i32
    scf.if %cond3A_3 {
      "tpu.region"() ({
        %run_scoped3A = tpu.sem_alloc : memref<!tpu.dma_semaphore, #tpu.memory_space<semaphore_mem>>
        tpu.enqueue_dma source(%arg2 : memref<64xi32, #tpu.memory_space<hbm>>) target(%arg5 : memref<64xi32, #tpu.memory_space<vmem>>) target_semaphore(%run_scoped3A : memref<!tpu.dma_semaphore, #tpu.memory_space<semaphore_mem>>)
        tpu.wait_dma2 semaphore(%run_scoped3A : memref<!tpu.dma_semaphore, #tpu.memory_space<semaphore_mem>>) src(%arg2 : memref<64xi32, #tpu.memory_space<hbm>>) dst(%arg5 : memref<64xi32, #tpu.memory_space<vmem>>)
        tpu.yield
      }) : () -> ()
      %dma_start3A = arith.constant 0 : i32
      %dma_start3A_4 = tpu.memref_slice %arg3[%dma_start3A] : memref<1000xf32, #tpu.memory_space<hbm>> -> memref<1000xf32, #tpu.memory_space<hbm>>
      tpu.enqueue_indirect_dma source(%dma_start3A_4 : memref<1000xf32, #tpu.memory_space<hbm>>) target(%arg6 : memref<64xf32, #tpu.memory_space<vmem>>) offsets(%arg5 : memref<64xi32, #tpu.memory_space<vmem>>) semaphore(%arg7 : memref<!tpu.dma_semaphore, #tpu.memory_space<semaphore_mem>>)
      %dma_wait3A = arith.constant 0 : i32
      %dma_wait3A_5 = tpu.memref_slice %arg3[%dma_wait3A] : memref<1000xf32, #tpu.memory_space<hbm>> -> memref<1000xf32, #tpu.memory_space<hbm>>
      tpu.wait_indirect_dma semaphore(%arg7 : memref<!tpu.dma_semaphore, #tpu.memory_space<semaphore_mem>>) src(%dma_wait3A_5 : memref<1000xf32, #tpu.memory_space<hbm>>) dst(%arg6 : memref<64xf32, #tpu.memory_space<vmem>>)
      "tpu.region"() ({
        %run_scoped3A = tpu.sem_alloc : memref<!tpu.dma_semaphore, #tpu.memory_space<semaphore_mem>>
        tpu.enqueue_dma source(%arg6 : memref<64xf32, #tpu.memory_space<vmem>>) target(%arg4 : memref<64xf32, #tpu.memory_space<hbm>>) target_semaphore(%run_scoped3A : memref<!tpu.dma_semaphore, #tpu.memory_space<semaphore_mem>>)
        tpu.wait_dma2 semaphore(%run_scoped3A : memref<!tpu.dma_semaphore, #tpu.memory_space<semaphore_mem>>) src(%arg6 : memref<64xf32, #tpu.memory_space<vmem>>) dst(%arg4 : memref<64xf32, #tpu.memory_space<hbm>>)
        tpu.yield
      }) : () -> ()
    } else {
    }
    return
  }
}

module attributes {stable_mosaic.version = 14 : i64} {
  func.func @_noise_kernel(%arg0: i32, %arg1: i32, %arg2: memref<64xf32, #tpu.memory_space<smem>>, %arg3: memref<1x1024x512xf32, #tpu.memory_space<vmem>>, %arg4: memref<1x1024x512xf32, #tpu.memory_space<vmem>>, %arg5: memref<1x1024x512xf32, #tpu.memory_space<vmem>>) attributes {dimension_semantics = [#tpu.dimension_semantics<arbitrary>, #tpu.dimension_semantics<arbitrary>], iteration_bounds = array<i64: 64, 1>, scalar_prefetch = 0 : i64, scratch_operands = 0 : i64, tpu.core_type = #tpu.core_type<tc>, window_params = [{transform_indices = @transform_0, window_bounds = array<i64: 64>}, {transform_indices = @transform_1, window_bounds = array<i64: 1, 1024, 512>}, {transform_indices = @transform_2, window_bounds = array<i64: 1, 1024, 512>}, {transform_indices = @transform_3, window_bounds = array<i64: 1, 1024, 512>}]} {
    %get3A = arith.index_cast %arg0 : i32 to index
    %get3A_0 = memref.load %arg2[%get3A] : memref<64xf32, #tpu.memory_space<smem>>
    %sqrt3A = math.sqrt %get3A_0 : f32
    %sub3A = arith.constant 1.000000e+00 : f32
    %sub3A_1 = arith.subf %sub3A, %get3A_0 : f32
    %sqrt3A_2 = math.sqrt %sub3A_1 : f32
    %mul3A = arith.constant 524288 : i32
    %mul3A_3 = arith.muli %arg0, %mul3A : i32
    %mul3A_4 = arith.constant 524288 : i32
    %mul3A_5 = arith.muli %arg1, %mul3A_4 : i32
    %add3A = arith.addi %mul3A_3, %mul3A_5 : i32
    %add3A_6 = arith.constant 1 : i32
    %add3A_7 = arith.addi %add3A, %add3A_6 : i32
    %iota3A = tpu.iota {dimensions = array<i32: 1>} : vector<1x128x512xi32>
    %iota3A_8 = tpu.iota {dimensions = array<i32: 2>} : vector<1x128x512xi32>
    %mul3A_9 = arith.constant 512 : i32
    %mul3A_10 = vector.broadcast %mul3A_9 : i32 to vector<1x128x512xi32>
    %mul3A_11 = arith.muli %iota3A, %mul3A_10 : vector<1x128x512xi32>
    %add3A_12 = arith.addi %mul3A_11, %iota3A_8 : vector<1x128x512xi32>
    %scan3A = arith.constant 0 : i32
    %scan3A_13 = arith.constant 8 : i32
    %scan3A_14 = arith.addi %scan3A, %scan3A_13 : i32
    %scan3A_15 = arith.constant 4 : i32
    scf.for %scan3A_17 = %scan3A to %scan3A_14 step %scan3A_15  : i32 {
      %mul3A_18 = arith.constant 128 : i32
      %mul3A_19 = arith.muli %scan3A_17, %mul3A_18 : i32
      %mul3A_20 = arith.constant 65536 : i32
      %mul3A_21 = arith.muli %scan3A_17, %mul3A_20 : i32
      %add3A_22 = arith.addi %add3A_7, %mul3A_21 : i32
      %add3A_23 = vector.broadcast %add3A_22 : i32 to vector<1x128x512xi32>
      %add3A_24 = arith.addi %add3A_23, %add3A_12 : vector<1x128x512xi32>
      %shift_left3A = arith.constant 13 : i32
      %shift_left3A_25 = vector.broadcast %shift_left3A : i32 to vector<1x128x512xi32>
      %shift_left3A_26 = arith.shli %add3A_24, %shift_left3A_25 : vector<1x128x512xi32>
      %shift_right_logical3A = arith.constant 19 : i32
      %shift_right_logical3A_27 = vector.broadcast %shift_right_logical3A : i32 to vector<1x128x512xi32>
      %shift_right_logical3A_28 = arith.shrui %add3A_24, %shift_right_logical3A_27 : vector<1x128x512xi32>
      %or3A = arith.ori %shift_left3A_26, %shift_right_logical3A_28 : vector<1x128x512xi32>
      %xor3A = arith.xori %or3A, %add3A_24 : vector<1x128x512xi32>
      %add3A_29 = arith.addi %add3A_24, %xor3A : vector<1x128x512xi32>
      %shift_left3A_30 = arith.constant 15 : i32
      %shift_left3A_31 = vector.broadcast %shift_left3A_30 : i32 to vector<1x128x512xi32>
      %shift_left3A_32 = arith.shli %xor3A, %shift_left3A_31 : vector<1x128x512xi32>
      %shift_right_logical3A_33 = arith.constant 17 : i32
      %shift_right_logical3A_34 = vector.broadcast %shift_right_logical3A_33 : i32 to vector<1x128x512xi32>
      %shift_right_logical3A_35 = arith.shrui %xor3A, %shift_right_logical3A_34 : vector<1x128x512xi32>
      %or3A_36 = arith.ori %shift_left3A_32, %shift_right_logical3A_35 : vector<1x128x512xi32>
      %xor3A_37 = arith.xori %or3A_36, %add3A_29 : vector<1x128x512xi32>
      %add3A_38 = arith.addi %add3A_29, %xor3A_37 : vector<1x128x512xi32>
      %shift_left3A_39 = arith.constant 26 : i32
      %shift_left3A_40 = vector.broadcast %shift_left3A_39 : i32 to vector<1x128x512xi32>
      %shift_left3A_41 = arith.shli %xor3A_37, %shift_left3A_40 : vector<1x128x512xi32>
      %shift_right_logical3A_42 = arith.constant 6 : i32
      %shift_right_logical3A_43 = vector.broadcast %shift_right_logical3A_42 : i32 to vector<1x128x512xi32>
      %shift_right_logical3A_44 = arith.shrui %xor3A_37, %shift_right_logical3A_43 : vector<1x128x512xi32>
      %or3A_45 = arith.ori %shift_left3A_41, %shift_right_logical3A_44 : vector<1x128x512xi32>
      %xor3A_46 = arith.xori %or3A_45, %add3A_38 : vector<1x128x512xi32>
      %add3A_47 = arith.addi %add3A_38, %xor3A_46 : vector<1x128x512xi32>
      %shift_left3A_48 = arith.constant 6 : i32
      %shift_left3A_49 = vector.broadcast %shift_left3A_48 : i32 to vector<1x128x512xi32>
      %shift_left3A_50 = arith.shli %xor3A_46, %shift_left3A_49 : vector<1x128x512xi32>
      %shift_right_logical3A_51 = arith.constant 26 : i32
      %shift_right_logical3A_52 = vector.broadcast %shift_right_logical3A_51 : i32 to vector<1x128x512xi32>
      %shift_right_logical3A_53 = arith.shrui %xor3A_46, %shift_right_logical3A_52 : vector<1x128x512xi32>
      %or3A_54 = arith.ori %shift_left3A_50, %shift_right_logical3A_53 : vector<1x128x512xi32>
      %xor3A_55 = arith.xori %or3A_54, %add3A_47 : vector<1x128x512xi32>
      %add3A_56 = arith.constant 1 : i32
      %add3A_57 = vector.broadcast %add3A_56 : i32 to vector<1x128x512xi32>
      %add3A_58 = arith.addi %add3A_47, %add3A_57 : vector<1x128x512xi32>
      %add3A_59 = arith.constant 466688988 : i32
      %add3A_60 = vector.broadcast %add3A_59 : i32 to vector<1x128x512xi32>
      %add3A_61 = arith.addi %xor3A_55, %add3A_60 : vector<1x128x512xi32>
      %add3A_62 = arith.addi %add3A_58, %add3A_61 : vector<1x128x512xi32>
      %shift_left3A_63 = arith.constant 17 : i32
      %shift_left3A_64 = vector.broadcast %shift_left3A_63 : i32 to vector<1x128x512xi32>
      %shift_left3A_65 = arith.shli %add3A_61, %shift_left3A_64 : vector<1x128x512xi32>
      %shift_right_logical3A_66 = arith.constant 15 : i32
      %shift_right_logical3A_67 = vector.broadcast %shift_right_logical3A_66 : i32 to vector<1x128x512xi32>
      %shift_right_logical3A_68 = arith.shrui %add3A_61, %shift_right_logical3A_67 : vector<1x128x512xi32>
      %or3A_69 = arith.ori %shift_left3A_65, %shift_right_logical3A_68 : vector<1x128x512xi32>
      %xor3A_70 = arith.xori %or3A_69, %add3A_62 : vector<1x128x512xi32>
      %add3A_71 = arith.addi %add3A_62, %xor3A_70 : vector<1x128x512xi32>
      %shift_left3A_72 = arith.constant 29 : i32
      %shift_left3A_73 = vector.broadcast %shift_left3A_72 : i32 to vector<1x128x512xi32>
      %shift_left3A_74 = arith.shli %xor3A_70, %shift_left3A_73 : vector<1x128x512xi32>
      %shift_right_logical3A_75 = arith.constant 3 : i32
      %shift_right_logical3A_76 = vector.broadcast %shift_right_logical3A_75 : i32 to vector<1x128x512xi32>
      %shift_right_logical3A_77 = arith.shrui %xor3A_70, %shift_right_logical3A_76 : vector<1x128x512xi32>
      %or3A_78 = arith.ori %shift_left3A_74, %shift_right_logical3A_77 : vector<1x128x512xi32>
      %xor3A_79 = arith.xori %or3A_78, %add3A_71 : vector<1x128x512xi32>
      %add3A_80 = arith.addi %add3A_71, %xor3A_79 : vector<1x128x512xi32>
      %shift_left3A_81 = arith.constant 16 : i32
      %shift_left3A_82 = vector.broadcast %shift_left3A_81 : i32 to vector<1x128x512xi32>
      %shift_left3A_83 = arith.shli %xor3A_79, %shift_left3A_82 : vector<1x128x512xi32>
      %shift_right_logical3A_84 = arith.constant 16 : i32
      %shift_right_logical3A_85 = vector.broadcast %shift_right_logical3A_84 : i32 to vector<1x128x512xi32>
      %shift_right_logical3A_86 = arith.shrui %xor3A_79, %shift_right_logical3A_85 : vector<1x128x512xi32>
      %or3A_87 = arith.ori %shift_left3A_83, %shift_right_logical3A_86 : vector<1x128x512xi32>
      %xor3A_88 = arith.xori %or3A_87, %add3A_80 : vector<1x128x512xi32>
      %add3A_89 = arith.addi %add3A_80, %xor3A_88 : vector<1x128x512xi32>
      %shift_left3A_90 = arith.constant 24 : i32
      %shift_left3A_91 = vector.broadcast %shift_left3A_90 : i32 to vector<1x128x512xi32>
      %shift_left3A_92 = arith.shli %xor3A_88, %shift_left3A_91 : vector<1x128x512xi32>
      %shift_right_logical3A_93 = arith.constant 8 : i32
      %shift_right_logical3A_94 = vector.broadcast %shift_right_logical3A_93 : i32 to vector<1x128x512xi32>
      %shift_right_logical3A_95 = arith.shrui %xor3A_88, %shift_right_logical3A_94 : vector<1x128x512xi32>
      %or3A_96 = arith.ori %shift_left3A_92, %shift_right_logical3A_95 : vector<1x128x512xi32>
      %xor3A_97 = arith.xori %or3A_96, %add3A_89 : vector<1x128x512xi32>
      %add3A_98 = arith.constant 466688987 : i32
      %add3A_99 = vector.broadcast %add3A_98 : i32 to vector<1x128x512xi32>
      %add3A_100 = arith.addi %add3A_89, %add3A_99 : vector<1x128x512xi32>
      %add3A_101 = arith.constant 2 : i32
      %add3A_102 = vector.broadcast %add3A_101 : i32 to vector<1x128x512xi32>
      %add3A_103 = arith.addi %xor3A_97, %add3A_102 : vector<1x128x512xi32>
      %add3A_104 = arith.addi %add3A_100, %add3A_103 : vector<1x128x512xi32>
      %shift_left3A_105 = arith.constant 13 : i32
      %shift_left3A_106 = vector.broadcast %shift_left3A_105 : i32 to vector<1x128x512xi32>
      %shift_left3A_107 = arith.shli %add3A_103, %shift_left3A_106 : vector<1x128x512xi32>
      %shift_right_logical3A_108 = arith.constant 19 : i32
      %shift_right_logical3A_109 = vector.broadcast %shift_right_logical3A_108 : i32 to vector<1x128x512xi32>
      %shift_right_logical3A_110 = arith.shrui %add3A_103, %shift_right_logical3A_109 : vector<1x128x512xi32>
      %or3A_111 = arith.ori %shift_left3A_107, %shift_right_logical3A_110 : vector<1x128x512xi32>
      %xor3A_112 = arith.xori %or3A_111, %add3A_104 : vector<1x128x512xi32>
      %add3A_113 = arith.addi %add3A_104, %xor3A_112 : vector<1x128x512xi32>
      %shift_left3A_114 = arith.constant 15 : i32
      %shift_left3A_115 = vector.broadcast %shift_left3A_114 : i32 to vector<1x128x512xi32>
      %shift_left3A_116 = arith.shli %xor3A_112, %shift_left3A_115 : vector<1x128x512xi32>
      %shift_right_logical3A_117 = arith.constant 17 : i32
      %shift_right_logical3A_118 = vector.broadcast %shift_right_logical3A_117 : i32 to vector<1x128x512xi32>
      %shift_right_logical3A_119 = arith.shrui %xor3A_112, %shift_right_logical3A_118 : vector<1x128x512xi32>
      %or3A_120 = arith.ori %shift_left3A_116, %shift_right_logical3A_119 : vector<1x128x512xi32>
      %xor3A_121 = arith.xori %or3A_120, %add3A_113 : vector<1x128x512xi32>
      %add3A_122 = arith.addi %add3A_113, %xor3A_121 : vector<1x128x512xi32>
      %shift_left3A_123 = arith.constant 26 : i32
      %shift_left3A_124 = vector.broadcast %shift_left3A_123 : i32 to vector<1x128x512xi32>
      %shift_left3A_125 = arith.shli %xor3A_121, %shift_left3A_124 : vector<1x128x512xi32>
      %shift_right_logical3A_126 = arith.constant 6 : i32
      %shift_right_logical3A_127 = vector.broadcast %shift_right_logical3A_126 : i32 to vector<1x128x512xi32>
      %shift_right_logical3A_128 = arith.shrui %xor3A_121, %shift_right_logical3A_127 : vector<1x128x512xi32>
      %or3A_129 = arith.ori %shift_left3A_125, %shift_right_logical3A_128 : vector<1x128x512xi32>
      %xor3A_130 = arith.xori %or3A_129, %add3A_122 : vector<1x128x512xi32>
      %add3A_131 = arith.addi %add3A_122, %xor3A_130 : vector<1x128x512xi32>
      %shift_left3A_132 = arith.constant 6 : i32
      %shift_left3A_133 = vector.broadcast %shift_left3A_132 : i32 to vector<1x128x512xi32>
      %shift_left3A_134 = arith.shli %xor3A_130, %shift_left3A_133 : vector<1x128x512xi32>
      %shift_right_logical3A_135 = arith.constant 26 : i32
      %shift_right_logical3A_136 = vector.broadcast %shift_right_logical3A_135 : i32 to vector<1x128x512xi32>
      %shift_right_logical3A_137 = arith.shrui %xor3A_130, %shift_right_logical3A_136 : vector<1x128x512xi32>
      %or3A_138 = arith.ori %shift_left3A_134, %shift_right_logical3A_137 : vector<1x128x512xi32>
      %xor3A_139 = arith.xori %or3A_138, %add3A_131 : vector<1x128x512xi32>
      %add3A_140 = arith.constant 4 : i32
      %add3A_141 = vector.broadcast %add3A_140 : i32 to vector<1x128x512xi32>
      %add3A_142 = arith.addi %xor3A_139, %add3A_141 : vector<1x128x512xi32>
      %add3A_143 = arith.addi %add3A_131, %add3A_142 : vector<1x128x512xi32>
      %shift_left3A_144 = arith.constant 17 : i32
      %shift_left3A_145 = vector.broadcast %shift_left3A_144 : i32 to vector<1x128x512xi32>
      %shift_left3A_146 = arith.shli %add3A_142, %shift_left3A_145 : vector<1x128x512xi32>
      %shift_right_logical3A_147 = arith.constant 15 : i32
      %shift_right_logical3A_148 = vector.broadcast %shift_right_logical3A_147 : i32 to vector<1x128x512xi32>
      %shift_right_logical3A_149 = arith.shrui %add3A_142, %shift_right_logical3A_148 : vector<1x128x512xi32>
      %or3A_150 = arith.ori %shift_left3A_146, %shift_right_logical3A_149 : vector<1x128x512xi32>
      %xor3A_151 = arith.xori %or3A_150, %add3A_143 : vector<1x128x512xi32>
      %add3A_152 = arith.addi %add3A_143, %xor3A_151 : vector<1x128x512xi32>
      %shift_left3A_153 = arith.constant 29 : i32
      %shift_left3A_154 = vector.broadcast %shift_left3A_153 : i32 to vector<1x128x512xi32>
      %shift_left3A_155 = arith.shli %xor3A_151, %shift_left3A_154 : vector<1x128x512xi32>
      %shift_right_logical3A_156 = arith.constant 3 : i32
      %shift_right_logical3A_157 = vector.broadcast %shift_right_logical3A_156 : i32 to vector<1x128x512xi32>
      %shift_right_logical3A_158 = arith.shrui %xor3A_151, %shift_right_logical3A_157 : vector<1x128x512xi32>
      %or3A_159 = arith.ori %shift_left3A_155, %shift_right_logical3A_158 : vector<1x128x512xi32>
      %xor3A_160 = arith.xori %or3A_159, %add3A_152 : vector<1x128x512xi32>
      %add3A_161 = arith.addi %add3A_152, %xor3A_160 : vector<1x128x512xi32>
      %shift_left3A_162 = arith.constant 16 : i32
      %shift_left3A_163 = vector.broadcast %shift_left3A_162 : i32 to vector<1x128x512xi32>
      %shift_left3A_164 = arith.shli %xor3A_160, %shift_left3A_163 : vector<1x128x512xi32>
      %shift_right_logical3A_165 = arith.constant 16 : i32
      %shift_right_logical3A_166 = vector.broadcast %shift_right_logical3A_165 : i32 to vector<1x128x512xi32>
      %shift_right_logical3A_167 = arith.shrui %xor3A_160, %shift_right_logical3A_166 : vector<1x128x512xi32>
      %or3A_168 = arith.ori %shift_left3A_164, %shift_right_logical3A_167 : vector<1x128x512xi32>
      %xor3A_169 = arith.xori %or3A_168, %add3A_161 : vector<1x128x512xi32>
      %add3A_170 = arith.addi %add3A_161, %xor3A_169 : vector<1x128x512xi32>
      %shift_left3A_171 = arith.constant 24 : i32
      %shift_left3A_172 = vector.broadcast %shift_left3A_171 : i32 to vector<1x128x512xi32>
      %shift_left3A_173 = arith.shli %xor3A_169, %shift_left3A_172 : vector<1x128x512xi32>
      %shift_right_logical3A_174 = arith.constant 8 : i32
      %shift_right_logical3A_175 = vector.broadcast %shift_right_logical3A_174 : i32 to vector<1x128x512xi32>
      %shift_right_logical3A_176 = arith.shrui %xor3A_169, %shift_right_logical3A_175 : vector<1x128x512xi32>
      %or3A_177 = arith.ori %shift_left3A_173, %shift_right_logical3A_176 : vector<1x128x512xi32>
      %xor3A_178 = arith.xori %or3A_177, %add3A_170 : vector<1x128x512xi32>
      %add3A_179 = arith.constant 1 : i32
      %add3A_180 = vector.broadcast %add3A_179 : i32 to vector<1x128x512xi32>
      %add3A_181 = arith.addi %add3A_170, %add3A_180 : vector<1x128x512xi32>
      %add3A_182 = arith.constant 466688991 : i32
      %add3A_183 = vector.broadcast %add3A_182 : i32 to vector<1x128x512xi32>
      %add3A_184 = arith.addi %xor3A_178, %add3A_183 : vector<1x128x512xi32>
      %add3A_185 = arith.addi %add3A_181, %add3A_184 : vector<1x128x512xi32>
      %shift_left3A_186 = arith.constant 13 : i32
      %shift_left3A_187 = vector.broadcast %shift_left3A_186 : i32 to vector<1x128x512xi32>
      %shift_left3A_188 = arith.shli %add3A_184, %shift_left3A_187 : vector<1x128x512xi32>
      %shift_right_logical3A_189 = arith.constant 19 : i32
      %shift_right_logical3A_190 = vector.broadcast %shift_right_logical3A_189 : i32 to vector<1x128x512xi32>
      %shift_right_logical3A_191 = arith.shrui %add3A_184, %shift_right_logical3A_190 : vector<1x128x512xi32>
      %or3A_192 = arith.ori %shift_left3A_188, %shift_right_logical3A_191 : vector<1x128x512xi32>
      %xor3A_193 = arith.xori %or3A_192, %add3A_185 : vector<1x128x512xi32>
      %add3A_194 = arith.addi %add3A_185, %xor3A_193 : vector<1x128x512xi32>
      %shift_left3A_195 = arith.constant 15 : i32
      %shift_left3A_196 = vector.broadcast %shift_left3A_195 : i32 to vector<1x128x512xi32>
      %shift_left3A_197 = arith.shli %xor3A_193, %shift_left3A_196 : vector<1x128x512xi32>
      %shift_right_logical3A_198 = arith.constant 17 : i32
      %shift_right_logical3A_199 = vector.broadcast %shift_right_logical3A_198 : i32 to vector<1x128x512xi32>
      %shift_right_logical3A_200 = arith.shrui %xor3A_193, %shift_right_logical3A_199 : vector<1x128x512xi32>
      %or3A_201 = arith.ori %shift_left3A_197, %shift_right_logical3A_200 : vector<1x128x512xi32>
      %xor3A_202 = arith.xori %or3A_201, %add3A_194 : vector<1x128x512xi32>
      %add3A_203 = arith.addi %add3A_194, %xor3A_202 : vector<1x128x512xi32>
      %shift_left3A_204 = arith.constant 26 : i32
      %shift_left3A_205 = vector.broadcast %shift_left3A_204 : i32 to vector<1x128x512xi32>
      %shift_left3A_206 = arith.shli %xor3A_202, %shift_left3A_205 : vector<1x128x512xi32>
      %shift_right_logical3A_207 = arith.constant 6 : i32
      %shift_right_logical3A_208 = vector.broadcast %shift_right_logical3A_207 : i32 to vector<1x128x512xi32>
      %shift_right_logical3A_209 = arith.shrui %xor3A_202, %shift_right_logical3A_208 : vector<1x128x512xi32>
      %or3A_210 = arith.ori %shift_left3A_206, %shift_right_logical3A_209 : vector<1x128x512xi32>
      %xor3A_211 = arith.xori %or3A_210, %add3A_203 : vector<1x128x512xi32>
      %add3A_212 = arith.addi %add3A_203, %xor3A_211 : vector<1x128x512xi32>
      %shift_left3A_213 = arith.constant 6 : i32
      %shift_left3A_214 = vector.broadcast %shift_left3A_213 : i32 to vector<1x128x512xi32>
      %shift_left3A_215 = arith.shli %xor3A_211, %shift_left3A_214 : vector<1x128x512xi32>
      %shift_right_logical3A_216 = arith.constant 26 : i32
      %shift_right_logical3A_217 = vector.broadcast %shift_right_logical3A_216 : i32 to vector<1x128x512xi32>
      %shift_right_logical3A_218 = arith.shrui %xor3A_211, %shift_right_logical3A_217 : vector<1x128x512xi32>
      %or3A_219 = arith.ori %shift_left3A_215, %shift_right_logical3A_218 : vector<1x128x512xi32>
      %xor3A_220 = arith.xori %or3A_219, %add3A_212 : vector<1x128x512xi32>
      %add3A_221 = arith.constant 466688987 : i32
      %add3A_222 = vector.broadcast %add3A_221 : i32 to vector<1x128x512xi32>
      %add3A_223 = arith.addi %add3A_212, %add3A_222 : vector<1x128x512xi32>
      %add3A_224 = arith.constant 5 : i32
      %add3A_225 = vector.broadcast %add3A_224 : i32 to vector<1x128x512xi32>
      %add3A_226 = arith.addi %xor3A_220, %add3A_225 : vector<1x128x512xi32>
      %xor3A_227 = arith.xori %add3A_223, %add3A_226 : vector<1x128x512xi32>
      %shift_right_logical3A_228 = arith.constant 9 : i32
      %shift_right_logical3A_229 = vector.broadcast %shift_right_logical3A_228 : i32 to vector<1x128x512xi32>
      %shift_right_logical3A_230 = arith.shrui %xor3A_227, %shift_right_logical3A_229 : vector<1x128x512xi32>
      %or3A_231 = arith.constant 1073741824 : i32
      %or3A_232 = vector.broadcast %or3A_231 : i32 to vector<1x128x512xi32>
      %or3A_233 = arith.ori %shift_right_logical3A_230, %or3A_232 : vector<1x128x512xi32>
      %bitcast_convert_type3A = tpu.bitcast %or3A_233 : vector<1x128x512xi32> -> vector<1x128x512xf32>
      %sub3A_234 = arith.constant 3.000000e+00 : f32
      %sub3A_235 = vector.broadcast %sub3A_234 : f32 to vector<1x128x512xf32>
      %sub3A_236 = arith.subf %bitcast_convert_type3A, %sub3A_235 : vector<1x128x512xf32>
      %max3A = arith.constant -0.99999994 : f32
      %max3A_237 = vector.broadcast %max3A : f32 to vector<1x128x512xf32>
      %max3A_238 = arith.maximumf %max3A_237, %sub3A_236 : vector<1x128x512xf32>
      %mul3A_239 = arith.mulf %max3A_238, %max3A_238 : vector<1x128x512xf32>
      %sub3A_240 = arith.constant 1.000000e+00 : f32
      %sub3A_241 = vector.broadcast %sub3A_240 : f32 to vector<1x128x512xf32>
      %sub3A_242 = arith.subf %sub3A_241, %mul3A_239 : vector<1x128x512xf32>
      %log3A = math.log %sub3A_242 : vector<1x128x512xf32>
      %sub3A_243 = arith.constant 1.000000e+00 : f32
      %sub3A_244 = vector.broadcast %sub3A_243 : f32 to vector<1x128x512xf32>
      %sub3A_245 = arith.subf %sub3A_244, %log3A : vector<1x128x512xf32>
      %rsqrt3A = math.rsqrt %sub3A_245 : vector<1x128x512xf32>
      %sub3A_246 = arith.constant 0.621473848 : f32
      %sub3A_247 = vector.broadcast %sub3A_246 : f32 to vector<1x128x512xf32>
      %sub3A_248 = arith.subf %rsqrt3A, %sub3A_247 : vector<1x128x512xf32>
      %broadcast_in_dim3A = arith.constant 462.285919 : f32
      %broadcast_in_dim3A_249 = vector.broadcast %broadcast_in_dim3A : f32 to vector<1x128x512xf32>
      %mul3A_250 = arith.mulf %broadcast_in_dim3A_249, %sub3A_248 : vector<1x128x512xf32>
      %add3A_251 = arith.constant -179.910431 : f32
      %add3A_252 = vector.broadcast %add3A_251 : f32 to vector<1x128x512xf32>
      %add3A_253 = arith.addf %mul3A_250, %add3A_252 : vector<1x128x512xf32>
      %mul3A_254 = arith.mulf %add3A_253, %sub3A_248 : vector<1x128x512xf32>
      %add3A_255 = arith.constant -48.6085052 : f32
      %add3A_256 = vector.broadcast %add3A_255 : f32 to vector<1x128x512xf32>
      %add3A_257 = arith.addf %mul3A_254, %add3A_256 : vector<1x128x512xf32>
      %mul3A_258 = arith.mulf %add3A_257, %sub3A_248 : vector<1x128x512xf32>
      %add3A_259 = arith.constant 3.1611793 : f32
      %add3A_260 = vector.broadcast %add3A_259 : f32 to vector<1x128x512xf32>
      %add3A_261 = arith.addf %mul3A_258, %add3A_260 : vector<1x128x512xf32>
      %mul3A_262 = arith.mulf %add3A_261, %sub3A_248 : vector<1x128x512xf32>
      %add3A_263 = arith.constant 2.243800e+01 : f32
      %add3A_264 = vector.broadcast %add3A_263 : f32 to vector<1x128x512xf32>
      %add3A_265 = arith.addf %mul3A_262, %add3A_264 : vector<1x128x512xf32>
      %mul3A_266 = arith.mulf %add3A_265, %sub3A_248 : vector<1x128x512xf32>
      %add3A_267 = arith.constant -14.5774736 : f32
      %add3A_268 = vector.broadcast %add3A_267 : f32 to vector<1x128x512xf32>
      %add3A_269 = arith.addf %mul3A_266, %add3A_268 : vector<1x128x512xf32>
      %mul3A_270 = arith.mulf %add3A_269, %sub3A_248 : vector<1x128x512xf32>
      %add3A_271 = arith.constant 7.13013601 : f32
      %add3A_272 = vector.broadcast %add3A_271 : f32 to vector<1x128x512xf32>
      %add3A_273 = arith.addf %mul3A_270, %add3A_272 : vector<1x128x512xf32>
      %mul3A_274 = arith.mulf %add3A_273, %sub3A_248 : vector<1x128x512xf32>
      %add3A_275 = arith.constant -2.94416785 : f32
      %add3A_276 = vector.broadcast %add3A_275 : f32 to vector<1x128x512xf32>
      %add3A_277 = arith.addf %mul3A_274, %add3A_276 : vector<1x128x512xf32>
      %mul3A_278 = arith.mulf %add3A_277, %sub3A_248 : vector<1x128x512xf32>
      %add3A_279 = arith.constant 1.80228829 : f32
      %add3A_280 = vector.broadcast %add3A_279 : f32 to vector<1x128x512xf32>
      %add3A_281 = arith.addf %mul3A_278, %add3A_280 : vector<1x128x512xf32>
      %mul3A_282 = arith.mulf %max3A_238, %add3A_281 : vector<1x128x512xf32>
      %swap3A = arith.constant 0 : index
      %swap3A_283 = arith.index_cast %mul3A_19 : i32 to index
      %swap3A_284 = arith.constant 0 : index
      %swap3A_285 = vector.load %arg5[%swap3A, %swap3A_283, %swap3A_284] : memref<1x1024x512xf32, #tpu.memory_space<vmem>>, vector<1x128x512xf32>
      tpu.vector_store %arg5[%swap3A, %swap3A_283, %swap3A_284], %mul3A_282 {strides = array<i32>} : memref<1x1024x512xf32, #tpu.memory_space<vmem>>, vector<1x128x512xf32>,
      %get3A_286 = arith.constant 0 : index
      %get3A_287 = arith.index_cast %mul3A_19 : i32 to index
      %get3A_288 = arith.constant 0 : index
      %get3A_289 = vector.load %arg3[%get3A_286, %get3A_287, %get3A_288] : memref<1x1024x512xf32, #tpu.memory_space<vmem>>, vector<1x128x512xf32>
      %mul3A_290 = vector.broadcast %sqrt3A : f32 to vector<1x128x512xf32>
      %mul3A_291 = arith.mulf %mul3A_290, %get3A_289 : vector<1x128x512xf32>
      %mul3A_292 = vector.broadcast %sqrt3A_2 : f32 to vector<1x128x512xf32>
      %mul3A_293 = arith.mulf %mul3A_292, %mul3A_282 : vector<1x128x512xf32>
      %add3A_294 = arith.addf %mul3A_291, %mul3A_293 : vector<1x128x512xf32>
      %swap3A_295 = arith.constant 0 : index
      %swap3A_296 = arith.index_cast %mul3A_19 : i32 to index
      %swap3A_297 = arith.constant 0 : index
      %swap3A_298 = vector.load %arg4[%swap3A_295, %swap3A_296, %swap3A_297] : memref<1x1024x512xf32, #tpu.memory_space<vmem>>, vector<1x128x512xf32>
      tpu.vector_store %arg4[%swap3A_295, %swap3A_296, %swap3A_297], %add3A_294 {strides = array<i32>} : memref<1x1024x512xf32, #tpu.memory_space<vmem>>, vector<1x128x512xf32>,
      %scan3A_299 = arith.constant 1 : i32
      %scan3A_300 = arith.addi %scan3A_17, %scan3A_299 : i32
      %mul3A_301 = arith.constant 128 : i32
      %mul3A_302 = arith.muli %scan3A_300, %mul3A_301 : i32
      %mul3A_303 = arith.constant 65536 : i32
      %mul3A_304 = arith.muli %scan3A_300, %mul3A_303 : i32
      %add3A_305 = arith.addi %add3A_7, %mul3A_304 : i32
      %add3A_306 = vector.broadcast %add3A_305 : i32 to vector<1x128x512xi32>
      %add3A_307 = arith.addi %add3A_306, %add3A_12 : vector<1x128x512xi32>
      %shift_left3A_308 = arith.constant 13 : i32
      %shift_left3A_309 = vector.broadcast %shift_left3A_308 : i32 to vector<1x128x512xi32>
      %shift_left3A_310 = arith.shli %add3A_307, %shift_left3A_309 : vector<1x128x512xi32>
      %shift_right_logical3A_311 = arith.constant 19 : i32
      %shift_right_logical3A_312 = vector.broadcast %shift_right_logical3A_311 : i32 to vector<1x128x512xi32>
      %shift_right_logical3A_313 = arith.shrui %add3A_307, %shift_right_logical3A_312 : vector<1x128x512xi32>
      %or3A_314 = arith.ori %shift_left3A_310, %shift_right_logical3A_313 : vector<1x128x512xi32>
      %xor3A_315 = arith.xori %or3A_314, %add3A_307 : vector<1x128x512xi32>
      %add3A_316 = arith.addi %add3A_307, %xor3A_315 : vector<1x128x512xi32>
      %shift_left3A_317 = arith.constant 15 : i32
      %shift_left3A_318 = vector.broadcast %shift_left3A_317 : i32 to vector<1x128x512xi32>
      %shift_left3A_319 = arith.shli %xor3A_315, %shift_left3A_318 : vector<1x128x512xi32>
      %shift_right_logical3A_320 = arith.constant 17 : i32
      %shift_right_logical3A_321 = vector.broadcast %shift_right_logical3A_320 : i32 to vector<1x128x512xi32>
      %shift_right_logical3A_322 = arith.shrui %xor3A_315, %shift_right_logical3A_321 : vector<1x128x512xi32>
      %or3A_323 = arith.ori %shift_left3A_319, %shift_right_logical3A_322 : vector<1x128x512xi32>
      %xor3A_324 = arith.xori %or3A_323, %add3A_316 : vector<1x128x512xi32>
      %add3A_325 = arith.addi %add3A_316, %xor3A_324 : vector<1x128x512xi32>
      %shift_left3A_326 = arith.constant 26 : i32
      %shift_left3A_327 = vector.broadcast %shift_left3A_326 : i32 to vector<1x128x512xi32>
      %shift_left3A_328 = arith.shli %xor3A_324, %shift_left3A_327 : vector<1x128x512xi32>
      %shift_right_logical3A_329 = arith.constant 6 : i32
      %shift_right_logical3A_330 = vector.broadcast %shift_right_logical3A_329 : i32 to vector<1x128x512xi32>
      %shift_right_logical3A_331 = arith.shrui %xor3A_324, %shift_right_logical3A_330 : vector<1x128x512xi32>
      %or3A_332 = arith.ori %shift_left3A_328, %shift_right_logical3A_331 : vector<1x128x512xi32>
      %xor3A_333 = arith.xori %or3A_332, %add3A_325 : vector<1x128x512xi32>
      %add3A_334 = arith.addi %add3A_325, %xor3A_333 : vector<1x128x512xi32>
      %shift_left3A_335 = arith.constant 6 : i32
      %shift_left3A_336 = vector.broadcast %shift_left3A_335 : i32 to vector<1x128x512xi32>
      %shift_left3A_337 = arith.shli %xor3A_333, %shift_left3A_336 : vector<1x128x512xi32>
      %shift_right_logical3A_338 = arith.constant 26 : i32
      %shift_right_logical3A_339 = vector.broadcast %shift_right_logical3A_338 : i32 to vector<1x128x512xi32>
      %shift_right_logical3A_340 = arith.shrui %xor3A_333, %shift_right_logical3A_339 : vector<1x128x512xi32>
      %or3A_341 = arith.ori %shift_left3A_337, %shift_right_logical3A_340 : vector<1x128x512xi32>
      %xor3A_342 = arith.xori %or3A_341, %add3A_334 : vector<1x128x512xi32>
      %add3A_343 = arith.constant 1 : i32
      %add3A_344 = vector.broadcast %add3A_343 : i32 to vector<1x128x512xi32>
      %add3A_345 = arith.addi %add3A_334, %add3A_344 : vector<1x128x512xi32>
      %add3A_346 = arith.constant 466688988 : i32
      %add3A_347 = vector.broadcast %add3A_346 : i32 to vector<1x128x512xi32>
      %add3A_348 = arith.addi %xor3A_342, %add3A_347 : vector<1x128x512xi32>
      %add3A_349 = arith.addi %add3A_345, %add3A_348 : vector<1x128x512xi32>
      %shift_left3A_350 = arith.constant 17 : i32
      %shift_left3A_351 = vector.broadcast %shift_left3A_350 : i32 to vector<1x128x512xi32>
      %shift_left3A_352 = arith.shli %add3A_348, %shift_left3A_351 : vector<1x128x512xi32>
      %shift_right_logical3A_353 = arith.constant 15 : i32
      %shift_right_logical3A_354 = vector.broadcast %shift_right_logical3A_353 : i32 to vector<1x128x512xi32>
      %shift_right_logical3A_355 = arith.shrui %add3A_348, %shift_right_logical3A_354 : vector<1x128x512xi32>
      %or3A_356 = arith.ori %shift_left3A_352, %shift_right_logical3A_355 : vector<1x128x512xi32>
      %xor3A_357 = arith.xori %or3A_356, %add3A_349 : vector<1x128x512xi32>
      %add3A_358 = arith.addi %add3A_349, %xor3A_357 : vector<1x128x512xi32>
      %shift_left3A_359 = arith.constant 29 : i32
      %shift_left3A_360 = vector.broadcast %shift_left3A_359 : i32 to vector<1x128x512xi32>
      %shift_left3A_361 = arith.shli %xor3A_357, %shift_left3A_360 : vector<1x128x512xi32>
      %shift_right_logical3A_362 = arith.constant 3 : i32
      %shift_right_logical3A_363 = vector.broadcast %shift_right_logical3A_362 : i32 to vector<1x128x512xi32>
      %shift_right_logical3A_364 = arith.shrui %xor3A_357, %shift_right_logical3A_363 : vector<1x128x512xi32>
      %or3A_365 = arith.ori %shift_left3A_361, %shift_right_logical3A_364 : vector<1x128x512xi32>
      %xor3A_366 = arith.xori %or3A_365, %add3A_358 : vector<1x128x512xi32>
      %add3A_367 = arith.addi %add3A_358, %xor3A_366 : vector<1x128x512xi32>
      %shift_left3A_368 = arith.constant 16 : i32
      %shift_left3A_369 = vector.broadcast %shift_left3A_368 : i32 to vector<1x128x512xi32>
      %shift_left3A_370 = arith.shli %xor3A_366, %shift_left3A_369 : vector<1x128x512xi32>
      %shift_right_logical3A_371 = arith.constant 16 : i32
      %shift_right_logical3A_372 = vector.broadcast %shift_right_logical3A_371 : i32 to vector<1x128x512xi32>
      %shift_right_logical3A_373 = arith.shrui %xor3A_366, %shift_right_logical3A_372 : vector<1x128x512xi32>
      %or3A_374 = arith.ori %shift_left3A_370, %shift_right_logical3A_373 : vector<1x128x512xi32>
      %xor3A_375 = arith.xori %or3A_374, %add3A_367 : vector<1x128x512xi32>
      %add3A_376 = arith.addi %add3A_367, %xor3A_375 : vector<1x128x512xi32>
      %shift_left3A_377 = arith.constant 24 : i32
      %shift_left3A_378 = vector.broadcast %shift_left3A_377 : i32 to vector<1x128x512xi32>
      %shift_left3A_379 = arith.shli %xor3A_375, %shift_left3A_378 : vector<1x128x512xi32>
      %shift_right_logical3A_380 = arith.constant 8 : i32
      %shift_right_logical3A_381 = vector.broadcast %shift_right_logical3A_380 : i32 to vector<1x128x512xi32>
      %shift_right_logical3A_382 = arith.shrui %xor3A_375, %shift_right_logical3A_381 : vector<1x128x512xi32>
      %or3A_383 = arith.ori %shift_left3A_379, %shift_right_logical3A_382 : vector<1x128x512xi32>
      %xor3A_384 = arith.xori %or3A_383, %add3A_376 : vector<1x128x512xi32>
      %add3A_385 = arith.constant 466688987 : i32
      %add3A_386 = vector.broadcast %add3A_385 : i32 to vector<1x128x512xi32>
      %add3A_387 = arith.addi %add3A_376, %add3A_386 : vector<1x128x512xi32>
      %add3A_388 = arith.constant 2 : i32
      %add3A_389 = vector.broadcast %add3A_388 : i32 to vector<1x128x512xi32>
      %add3A_390 = arith.addi %xor3A_384, %add3A_389 : vector<1x128x512xi32>
      %add3A_391 = arith.addi %add3A_387, %add3A_390 : vector<1x128x512xi32>
      %shift_left3A_392 = arith.constant 13 : i32
      %shift_left3A_393 = vector.broadcast %shift_left3A_392 : i32 to vector<1x128x512xi32>
      %shift_left3A_394 = arith.shli %add3A_390, %shift_left3A_393 : vector<1x128x512xi32>
      %shift_right_logical3A_395 = arith.constant 19 : i32
      %shift_right_logical3A_396 = vector.broadcast %shift_right_logical3A_395 : i32 to vector<1x128x512xi32>
      %shift_right_logical3A_397 = arith.shrui %add3A_390, %shift_right_logical3A_396 : vector<1x128x512xi32>
      %or3A_398 = arith.ori %shift_left3A_394, %shift_right_logical3A_397 : vector<1x128x512xi32>
      %xor3A_399 = arith.xori %or3A_398, %add3A_391 : vector<1x128x512xi32>
      %add3A_400 = arith.addi %add3A_391, %xor3A_399 : vector<1x128x512xi32>
      %shift_left3A_401 = arith.constant 15 : i32
      %shift_left3A_402 = vector.broadcast %shift_left3A_401 : i32 to vector<1x128x512xi32>
      %shift_left3A_403 = arith.shli %xor3A_399, %shift_left3A_402 : vector<1x128x512xi32>
      %shift_right_logical3A_404 = arith.constant 17 : i32
      %shift_right_logical3A_405 = vector.broadcast %shift_right_logical3A_404 : i32 to vector<1x128x512xi32>
      %shift_right_logical3A_406 = arith.shrui %xor3A_399, %shift_right_logical3A_405 : vector<1x128x512xi32>
      %or3A_407 = arith.ori %shift_left3A_403, %shift_right_logical3A_406 : vector<1x128x512xi32>
      %xor3A_408 = arith.xori %or3A_407, %add3A_400 : vector<1x128x512xi32>
      %add3A_409 = arith.addi %add3A_400, %xor3A_408 : vector<1x128x512xi32>
      %shift_left3A_410 = arith.constant 26 : i32
      %shift_left3A_411 = vector.broadcast %shift_left3A_410 : i32 to vector<1x128x512xi32>
      %shift_left3A_412 = arith.shli %xor3A_408, %shift_left3A_411 : vector<1x128x512xi32>
      %shift_right_logical3A_413 = arith.constant 6 : i32
      %shift_right_logical3A_414 = vector.broadcast %shift_right_logical3A_413 : i32 to vector<1x128x512xi32>
      %shift_right_logical3A_415 = arith.shrui %xor3A_408, %shift_right_logical3A_414 : vector<1x128x512xi32>
      %or3A_416 = arith.ori %shift_left3A_412, %shift_right_logical3A_415 : vector<1x128x512xi32>
      %xor3A_417 = arith.xori %or3A_416, %add3A_409 : vector<1x128x512xi32>
      %add3A_418 = arith.addi %add3A_409, %xor3A_417 : vector<1x128x512xi32>
      %shift_left3A_419 = arith.constant 6 : i32
      %shift_left3A_420 = vector.broadcast %shift_left3A_419 : i32 to vector<1x128x512xi32>
      %shift_left3A_421 = arith.shli %xor3A_417, %shift_left3A_420 : vector<1x128x512xi32>
      %shift_right_logical3A_422 = arith.constant 26 : i32
      %shift_right_logical3A_423 = vector.broadcast %shift_right_logical3A_422 : i32 to vector<1x128x512xi32>
      %shift_right_logical3A_424 = arith.shrui %xor3A_417, %shift_right_logical3A_423 : vector<1x128x512xi32>
      %or3A_425 = arith.ori %shift_left3A_421, %shift_right_logical3A_424 : vector<1x128x512xi32>
      %xor3A_426 = arith.xori %or3A_425, %add3A_418 : vector<1x128x512xi32>
      %add3A_427 = arith.constant 4 : i32
      %add3A_428 = vector.broadcast %add3A_427 : i32 to vector<1x128x512xi32>
      %add3A_429 = arith.addi %xor3A_426, %add3A_428 : vector<1x128x512xi32>
      %add3A_430 = arith.addi %add3A_418, %add3A_429 : vector<1x128x512xi32>
      %shift_left3A_431 = arith.constant 17 : i32
      %shift_left3A_432 = vector.broadcast %shift_left3A_431 : i32 to vector<1x128x512xi32>
      %shift_left3A_433 = arith.shli %add3A_429, %shift_left3A_432 : vector<1x128x512xi32>
      %shift_right_logical3A_434 = arith.constant 15 : i32
      %shift_right_logical3A_435 = vector.broadcast %shift_right_logical3A_434 : i32 to vector<1x128x512xi32>
      %shift_right_logical3A_436 = arith.shrui %add3A_429, %shift_right_logical3A_435 : vector<1x128x512xi32>
      %or3A_437 = arith.ori %shift_left3A_433, %shift_right_logical3A_436 : vector<1x128x512xi32>
      %xor3A_438 = arith.xori %or3A_437, %add3A_430 : vector<1x128x512xi32>
      %add3A_439 = arith.addi %add3A_430, %xor3A_438 : vector<1x128x512xi32>
      %shift_left3A_440 = arith.constant 29 : i32
      %shift_left3A_441 = vector.broadcast %shift_left3A_440 : i32 to vector<1x128x512xi32>
      %shift_left3A_442 = arith.shli %xor3A_438, %shift_left3A_441 : vector<1x128x512xi32>
      %shift_right_logical3A_443 = arith.constant 3 : i32
      %shift_right_logical3A_444 = vector.broadcast %shift_right_logical3A_443 : i32 to vector<1x128x512xi32>
      %shift_right_logical3A_445 = arith.shrui %xor3A_438, %shift_right_logical3A_444 : vector<1x128x512xi32>
      %or3A_446 = arith.ori %shift_left3A_442, %shift_right_logical3A_445 : vector<1x128x512xi32>
      %xor3A_447 = arith.xori %or3A_446, %add3A_439 : vector<1x128x512xi32>
      %add3A_448 = arith.addi %add3A_439, %xor3A_447 : vector<1x128x512xi32>
      %shift_left3A_449 = arith.constant 16 : i32
      %shift_left3A_450 = vector.broadcast %shift_left3A_449 : i32 to vector<1x128x512xi32>
      %shift_left3A_451 = arith.shli %xor3A_447, %shift_left3A_450 : vector<1x128x512xi32>
      %shift_right_logical3A_452 = arith.constant 16 : i32
      %shift_right_logical3A_453 = vector.broadcast %shift_right_logical3A_452 : i32 to vector<1x128x512xi32>
      %shift_right_logical3A_454 = arith.shrui %xor3A_447, %shift_right_logical3A_453 : vector<1x128x512xi32>
      %or3A_455 = arith.ori %shift_left3A_451, %shift_right_logical3A_454 : vector<1x128x512xi32>
      %xor3A_456 = arith.xori %or3A_455, %add3A_448 : vector<1x128x512xi32>
      %add3A_457 = arith.addi %add3A_448, %xor3A_456 : vector<1x128x512xi32>
      %shift_left3A_458 = arith.constant 24 : i32
      %shift_left3A_459 = vector.broadcast %shift_left3A_458 : i32 to vector<1x128x512xi32>
      %shift_left3A_460 = arith.shli %xor3A_456, %shift_left3A_459 : vector<1x128x512xi32>
      %shift_right_logical3A_461 = arith.constant 8 : i32
      %shift_right_logical3A_462 = vector.broadcast %shift_right_logical3A_461 : i32 to vector<1x128x512xi32>
      %shift_right_logical3A_463 = arith.shrui %xor3A_456, %shift_right_logical3A_462 : vector<1x128x512xi32>
      %or3A_464 = arith.ori %shift_left3A_460, %shift_right_logical3A_463 : vector<1x128x512xi32>
      %xor3A_465 = arith.xori %or3A_464, %add3A_457 : vector<1x128x512xi32>
      %add3A_466 = arith.constant 1 : i32
      %add3A_467 = vector.broadcast %add3A_466 : i32 to vector<1x128x512xi32>
      %add3A_468 = arith.addi %add3A_457, %add3A_467 : vector<1x128x512xi32>
      %add3A_469 = arith.constant 466688991 : i32
      %add3A_470 = vector.broadcast %add3A_469 : i32 to vector<1x128x512xi32>
      %add3A_471 = arith.addi %xor3A_465, %add3A_470 : vector<1x128x512xi32>
      %add3A_472 = arith.addi %add3A_468, %add3A_471 : vector<1x128x512xi32>
      %shift_left3A_473 = arith.constant 13 : i32
      %shift_left3A_474 = vector.broadcast %shift_left3A_473 : i32 to vector<1x128x512xi32>
      %shift_left3A_475 = arith.shli %add3A_471, %shift_left3A_474 : vector<1x128x512xi32>
      %shift_right_logical3A_476 = arith.constant 19 : i32
      %shift_right_logical3A_477 = vector.broadcast %shift_right_logical3A_476 : i32 to vector<1x128x512xi32>
      %shift_right_logical3A_478 = arith.shrui %add3A_471, %shift_right_logical3A_477 : vector<1x128x512xi32>
      %or3A_479 = arith.ori %shift_left3A_475, %shift_right_logical3A_478 : vector<1x128x512xi32>
      %xor3A_480 = arith.xori %or3A_479, %add3A_472 : vector<1x128x512xi32>
      %add3A_481 = arith.addi %add3A_472, %xor3A_480 : vector<1x128x512xi32>
      %shift_left3A_482 = arith.constant 15 : i32
      %shift_left3A_483 = vector.broadcast %shift_left3A_482 : i32 to vector<1x128x512xi32>
      %shift_left3A_484 = arith.shli %xor3A_480, %shift_left3A_483 : vector<1x128x512xi32>
      %shift_right_logical3A_485 = arith.constant 17 : i32
      %shift_right_logical3A_486 = vector.broadcast %shift_right_logical3A_485 : i32 to vector<1x128x512xi32>
      %shift_right_logical3A_487 = arith.shrui %xor3A_480, %shift_right_logical3A_486 : vector<1x128x512xi32>
      %or3A_488 = arith.ori %shift_left3A_484, %shift_right_logical3A_487 : vector<1x128x512xi32>
      %xor3A_489 = arith.xori %or3A_488, %add3A_481 : vector<1x128x512xi32>
      %add3A_490 = arith.addi %add3A_481, %xor3A_489 : vector<1x128x512xi32>
      %shift_left3A_491 = arith.constant 26 : i32
      %shift_left3A_492 = vector.broadcast %shift_left3A_491 : i32 to vector<1x128x512xi32>
      %shift_left3A_493 = arith.shli %xor3A_489, %shift_left3A_492 : vector<1x128x512xi32>
      %shift_right_logical3A_494 = arith.constant 6 : i32
      %shift_right_logical3A_495 = vector.broadcast %shift_right_logical3A_494 : i32 to vector<1x128x512xi32>
      %shift_right_logical3A_496 = arith.shrui %xor3A_489, %shift_right_logical3A_495 : vector<1x128x512xi32>
      %or3A_497 = arith.ori %shift_left3A_493, %shift_right_logical3A_496 : vector<1x128x512xi32>
      %xor3A_498 = arith.xori %or3A_497, %add3A_490 : vector<1x128x512xi32>
      %add3A_499 = arith.addi %add3A_490, %xor3A_498 : vector<1x128x512xi32>
      %shift_left3A_500 = arith.constant 6 : i32
      %shift_left3A_501 = vector.broadcast %shift_left3A_500 : i32 to vector<1x128x512xi32>
      %shift_left3A_502 = arith.shli %xor3A_498, %shift_left3A_501 : vector<1x128x512xi32>
      %shift_right_logical3A_503 = arith.constant 26 : i32
      %shift_right_logical3A_504 = vector.broadcast %shift_right_logical3A_503 : i32 to vector<1x128x512xi32>
      %shift_right_logical3A_505 = arith.shrui %xor3A_498, %shift_right_logical3A_504 : vector<1x128x512xi32>
      %or3A_506 = arith.ori %shift_left3A_502, %shift_right_logical3A_505 : vector<1x128x512xi32>
      %xor3A_507 = arith.xori %or3A_506, %add3A_499 : vector<1x128x512xi32>
      %add3A_508 = arith.constant 466688987 : i32
      %add3A_509 = vector.broadcast %add3A_508 : i32 to vector<1x128x512xi32>
      %add3A_510 = arith.addi %add3A_499, %add3A_509 : vector<1x128x512xi32>
      %add3A_511 = arith.constant 5 : i32
      %add3A_512 = vector.broadcast %add3A_511 : i32 to vector<1x128x512xi32>
      %add3A_513 = arith.addi %xor3A_507, %add3A_512 : vector<1x128x512xi32>
      %xor3A_514 = arith.xori %add3A_510, %add3A_513 : vector<1x128x512xi32>
      %shift_right_logical3A_515 = arith.constant 9 : i32
      %shift_right_logical3A_516 = vector.broadcast %shift_right_logical3A_515 : i32 to vector<1x128x512xi32>
      %shift_right_logical3A_517 = arith.shrui %xor3A_514, %shift_right_logical3A_516 : vector<1x128x512xi32>
      %or3A_518 = arith.constant 1073741824 : i32
      %or3A_519 = vector.broadcast %or3A_518 : i32 to vector<1x128x512xi32>
      %or3A_520 = arith.ori %shift_right_logical3A_517, %or3A_519 : vector<1x128x512xi32>
      %bitcast_convert_type3A_521 = tpu.bitcast %or3A_520 : vector<1x128x512xi32> -> vector<1x128x512xf32>
      %sub3A_522 = arith.constant 3.000000e+00 : f32
      %sub3A_523 = vector.broadcast %sub3A_522 : f32 to vector<1x128x512xf32>
      %sub3A_524 = arith.subf %bitcast_convert_type3A_521, %sub3A_523 : vector<1x128x512xf32>
      %max3A_525 = arith.constant -0.99999994 : f32
      %max3A_526 = vector.broadcast %max3A_525 : f32 to vector<1x128x512xf32>
      %max3A_527 = arith.maximumf %max3A_526, %sub3A_524 : vector<1x128x512xf32>
      %mul3A_528 = arith.mulf %max3A_527, %max3A_527 : vector<1x128x512xf32>
      %sub3A_529 = arith.constant 1.000000e+00 : f32
      %sub3A_530 = vector.broadcast %sub3A_529 : f32 to vector<1x128x512xf32>
      %sub3A_531 = arith.subf %sub3A_530, %mul3A_528 : vector<1x128x512xf32>
      %log3A_532 = math.log %sub3A_531 : vector<1x128x512xf32>
      %sub3A_533 = arith.constant 1.000000e+00 : f32
      %sub3A_534 = vector.broadcast %sub3A_533 : f32 to vector<1x128x512xf32>
      %sub3A_535 = arith.subf %sub3A_534, %log3A_532 : vector<1x128x512xf32>
      %rsqrt3A_536 = math.rsqrt %sub3A_535 : vector<1x128x512xf32>
      %sub3A_537 = arith.constant 0.621473848 : f32
      %sub3A_538 = vector.broadcast %sub3A_537 : f32 to vector<1x128x512xf32>
      %sub3A_539 = arith.subf %rsqrt3A_536, %sub3A_538 : vector<1x128x512xf32>
      %broadcast_in_dim3A_540 = arith.constant 462.285919 : f32
      %broadcast_in_dim3A_541 = vector.broadcast %broadcast_in_dim3A_540 : f32 to vector<1x128x512xf32>
      %mul3A_542 = arith.mulf %broadcast_in_dim3A_541, %sub3A_539 : vector<1x128x512xf32>
      %add3A_543 = arith.constant -179.910431 : f32
      %add3A_544 = vector.broadcast %add3A_543 : f32 to vector<1x128x512xf32>
      %add3A_545 = arith.addf %mul3A_542, %add3A_544 : vector<1x128x512xf32>
      %mul3A_546 = arith.mulf %add3A_545, %sub3A_539 : vector<1x128x512xf32>
      %add3A_547 = arith.constant -48.6085052 : f32
      %add3A_548 = vector.broadcast %add3A_547 : f32 to vector<1x128x512xf32>
      %add3A_549 = arith.addf %mul3A_546, %add3A_548 : vector<1x128x512xf32>
      %mul3A_550 = arith.mulf %add3A_549, %sub3A_539 : vector<1x128x512xf32>
      %add3A_551 = arith.constant 3.1611793 : f32
      %add3A_552 = vector.broadcast %add3A_551 : f32 to vector<1x128x512xf32>
      %add3A_553 = arith.addf %mul3A_550, %add3A_552 : vector<1x128x512xf32>
      %mul3A_554 = arith.mulf %add3A_553, %sub3A_539 : vector<1x128x512xf32>
      %add3A_555 = arith.constant 2.243800e+01 : f32
      %add3A_556 = vector.broadcast %add3A_555 : f32 to vector<1x128x512xf32>
      %add3A_557 = arith.addf %mul3A_554, %add3A_556 : vector<1x128x512xf32>
      %mul3A_558 = arith.mulf %add3A_557, %sub3A_539 : vector<1x128x512xf32>
      %add3A_559 = arith.constant -14.5774736 : f32
      %add3A_560 = vector.broadcast %add3A_559 : f32 to vector<1x128x512xf32>
      %add3A_561 = arith.addf %mul3A_558, %add3A_560 : vector<1x128x512xf32>
      %mul3A_562 = arith.mulf %add3A_561, %sub3A_539 : vector<1x128x512xf32>
      %add3A_563 = arith.constant 7.13013601 : f32
      %add3A_564 = vector.broadcast %add3A_563 : f32 to vector<1x128x512xf32>
      %add3A_565 = arith.addf %mul3A_562, %add3A_564 : vector<1x128x512xf32>
      %mul3A_566 = arith.mulf %add3A_565, %sub3A_539 : vector<1x128x512xf32>
      %add3A_567 = arith.constant -2.94416785 : f32
      %add3A_568 = vector.broadcast %add3A_567 : f32 to vector<1x128x512xf32>
      %add3A_569 = arith.addf %mul3A_566, %add3A_568 : vector<1x128x512xf32>
      %mul3A_570 = arith.mulf %add3A_569, %sub3A_539 : vector<1x128x512xf32>
      %add3A_571 = arith.constant 1.80228829 : f32
      %add3A_572 = vector.broadcast %add3A_571 : f32 to vector<1x128x512xf32>
      %add3A_573 = arith.addf %mul3A_570, %add3A_572 : vector<1x128x512xf32>
      %mul3A_574 = arith.mulf %max3A_527, %add3A_573 : vector<1x128x512xf32>
      %swap3A_575 = arith.constant 0 : index
      %swap3A_576 = arith.index_cast %mul3A_302 : i32 to index
      %swap3A_577 = arith.constant 0 : index
      %swap3A_578 = vector.load %arg5[%swap3A_575, %swap3A_576, %swap3A_577] : memref<1x1024x512xf32, #tpu.memory_space<vmem>>, vector<1x128x512xf32>
      tpu.vector_store %arg5[%swap3A_575, %swap3A_576, %swap3A_577], %mul3A_574 {strides = array<i32>} : memref<1x1024x512xf32, #tpu.memory_space<vmem>>, vector<1x128x512xf32>,
      %get3A_579 = arith.constant 0 : index
      %get3A_580 = arith.index_cast %mul3A_302 : i32 to index
      %get3A_581 = arith.constant 0 : index
      %get3A_582 = vector.load %arg3[%get3A_579, %get3A_580, %get3A_581] : memref<1x1024x512xf32, #tpu.memory_space<vmem>>, vector<1x128x512xf32>
      %mul3A_583 = vector.broadcast %sqrt3A : f32 to vector<1x128x512xf32>
      %mul3A_584 = arith.mulf %mul3A_583, %get3A_582 : vector<1x128x512xf32>
      %mul3A_585 = vector.broadcast %sqrt3A_2 : f32 to vector<1x128x512xf32>
      %mul3A_586 = arith.mulf %mul3A_585, %mul3A_574 : vector<1x128x512xf32>
      %add3A_587 = arith.addf %mul3A_584, %mul3A_586 : vector<1x128x512xf32>
      %swap3A_588 = arith.constant 0 : index
      %swap3A_589 = arith.index_cast %mul3A_302 : i32 to index
      %swap3A_590 = arith.constant 0 : index
      %swap3A_591 = vector.load %arg4[%swap3A_588, %swap3A_589, %swap3A_590] : memref<1x1024x512xf32, #tpu.memory_space<vmem>>, vector<1x128x512xf32>
      tpu.vector_store %arg4[%swap3A_588, %swap3A_589, %swap3A_590], %add3A_587 {strides = array<i32>} : memref<1x1024x512xf32, #tpu.memory_space<vmem>>, vector<1x128x512xf32>,
      %scan3A_592 = arith.constant 2 : i32
      %scan3A_593 = arith.addi %scan3A_17, %scan3A_592 : i32
      %mul3A_594 = arith.constant 128 : i32
      %mul3A_595 = arith.muli %scan3A_593, %mul3A_594 : i32
      %mul3A_596 = arith.constant 65536 : i32
      %mul3A_597 = arith.muli %scan3A_593, %mul3A_596 : i32
      %add3A_598 = arith.addi %add3A_7, %mul3A_597 : i32
      %add3A_599 = vector.broadcast %add3A_598 : i32 to vector<1x128x512xi32>
      %add3A_600 = arith.addi %add3A_599, %add3A_12 : vector<1x128x512xi32>
      %shift_left3A_601 = arith.constant 13 : i32
      %shift_left3A_602 = vector.broadcast %shift_left3A_601 : i32 to vector<1x128x512xi32>
      %shift_left3A_603 = arith.shli %add3A_600, %shift_left3A_602 : vector<1x128x512xi32>
      %shift_right_logical3A_604 = arith.constant 19 : i32
      %shift_right_logical3A_605 = vector.broadcast %shift_right_logical3A_604 : i32 to vector<1x128x512xi32>
      %shift_right_logical3A_606 = arith.shrui %add3A_600, %shift_right_logical3A_605 : vector<1x128x512xi32>
      %or3A_607 = arith.ori %shift_left3A_603, %shift_right_logical3A_606 : vector<1x128x512xi32>
      %xor3A_608 = arith.xori %or3A_607, %add3A_600 : vector<1x128x512xi32>
      %add3A_609 = arith.addi %add3A_600, %xor3A_608 : vector<1x128x512xi32>
      %shift_left3A_610 = arith.constant 15 : i32
      %shift_left3A_611 = vector.broadcast %shift_left3A_610 : i32 to vector<1x128x512xi32>
      %shift_left3A_612 = arith.shli %xor3A_608, %shift_left3A_611 : vector<1x128x512xi32>
      %shift_right_logical3A_613 = arith.constant 17 : i32
      %shift_right_logical3A_614 = vector.broadcast %shift_right_logical3A_613 : i32 to vector<1x128x512xi32>
      %shift_right_logical3A_615 = arith.shrui %xor3A_608, %shift_right_logical3A_614 : vector<1x128x512xi32>
      %or3A_616 = arith.ori %shift_left3A_612, %shift_right_logical3A_615 : vector<1x128x512xi32>
      %xor3A_617 = arith.xori %or3A_616, %add3A_609 : vector<1x128x512xi32>
      %add3A_618 = arith.addi %add3A_609, %xor3A_617 : vector<1x128x512xi32>
      %shift_left3A_619 = arith.constant 26 : i32
      %shift_left3A_620 = vector.broadcast %shift_left3A_619 : i32 to vector<1x128x512xi32>
      %shift_left3A_621 = arith.shli %xor3A_617, %shift_left3A_620 : vector<1x128x512xi32>
      %shift_right_logical3A_622 = arith.constant 6 : i32
      %shift_right_logical3A_623 = vector.broadcast %shift_right_logical3A_622 : i32 to vector<1x128x512xi32>
      %shift_right_logical3A_624 = arith.shrui %xor3A_617, %shift_right_logical3A_623 : vector<1x128x512xi32>
      %or3A_625 = arith.ori %shift_left3A_621, %shift_right_logical3A_624 : vector<1x128x512xi32>
      %xor3A_626 = arith.xori %or3A_625, %add3A_618 : vector<1x128x512xi32>
      %add3A_627 = arith.addi %add3A_618, %xor3A_626 : vector<1x128x512xi32>
      %shift_left3A_628 = arith.constant 6 : i32
      %shift_left3A_629 = vector.broadcast %shift_left3A_628 : i32 to vector<1x128x512xi32>
      %shift_left3A_630 = arith.shli %xor3A_626, %shift_left3A_629 : vector<1x128x512xi32>
      %shift_right_logical3A_631 = arith.constant 26 : i32
      %shift_right_logical3A_632 = vector.broadcast %shift_right_logical3A_631 : i32 to vector<1x128x512xi32>
      %shift_right_logical3A_633 = arith.shrui %xor3A_626, %shift_right_logical3A_632 : vector<1x128x512xi32>
      %or3A_634 = arith.ori %shift_left3A_630, %shift_right_logical3A_633 : vector<1x128x512xi32>
      %xor3A_635 = arith.xori %or3A_634, %add3A_627 : vector<1x128x512xi32>
      %add3A_636 = arith.constant 1 : i32
      %add3A_637 = vector.broadcast %add3A_636 : i32 to vector<1x128x512xi32>
      %add3A_638 = arith.addi %add3A_627, %add3A_637 : vector<1x128x512xi32>
      %add3A_639 = arith.constant 466688988 : i32
      %add3A_640 = vector.broadcast %add3A_639 : i32 to vector<1x128x512xi32>
      %add3A_641 = arith.addi %xor3A_635, %add3A_640 : vector<1x128x512xi32>
      %add3A_642 = arith.addi %add3A_638, %add3A_641 : vector<1x128x512xi32>
      %shift_left3A_643 = arith.constant 17 : i32
      %shift_left3A_644 = vector.broadcast %shift_left3A_643 : i32 to vector<1x128x512xi32>
      %shift_left3A_645 = arith.shli %add3A_641, %shift_left3A_644 : vector<1x128x512xi32>
      %shift_right_logical3A_646 = arith.constant 15 : i32
      %shift_right_logical3A_647 = vector.broadcast %shift_right_logical3A_646 : i32 to vector<1x128x512xi32>
      %shift_right_logical3A_648 = arith.shrui %add3A_641, %shift_right_logical3A_647 : vector<1x128x512xi32>
      %or3A_649 = arith.ori %shift_left3A_645, %shift_right_logical3A_648 : vector<1x128x512xi32>
      %xor3A_650 = arith.xori %or3A_649, %add3A_642 : vector<1x128x512xi32>
      %add3A_651 = arith.addi %add3A_642, %xor3A_650 : vector<1x128x512xi32>
      %shift_left3A_652 = arith.constant 29 : i32
      %shift_left3A_653 = vector.broadcast %shift_left3A_652 : i32 to vector<1x128x512xi32>
      %shift_left3A_654 = arith.shli %xor3A_650, %shift_left3A_653 : vector<1x128x512xi32>
      %shift_right_logical3A_655 = arith.constant 3 : i32
      %shift_right_logical3A_656 = vector.broadcast %shift_right_logical3A_655 : i32 to vector<1x128x512xi32>
      %shift_right_logical3A_657 = arith.shrui %xor3A_650, %shift_right_logical3A_656 : vector<1x128x512xi32>
      %or3A_658 = arith.ori %shift_left3A_654, %shift_right_logical3A_657 : vector<1x128x512xi32>
      %xor3A_659 = arith.xori %or3A_658, %add3A_651 : vector<1x128x512xi32>
      %add3A_660 = arith.addi %add3A_651, %xor3A_659 : vector<1x128x512xi32>
      %shift_left3A_661 = arith.constant 16 : i32
      %shift_left3A_662 = vector.broadcast %shift_left3A_661 : i32 to vector<1x128x512xi32>
      %shift_left3A_663 = arith.shli %xor3A_659, %shift_left3A_662 : vector<1x128x512xi32>
      %shift_right_logical3A_664 = arith.constant 16 : i32
      %shift_right_logical3A_665 = vector.broadcast %shift_right_logical3A_664 : i32 to vector<1x128x512xi32>
      %shift_right_logical3A_666 = arith.shrui %xor3A_659, %shift_right_logical3A_665 : vector<1x128x512xi32>
      %or3A_667 = arith.ori %shift_left3A_663, %shift_right_logical3A_666 : vector<1x128x512xi32>
      %xor3A_668 = arith.xori %or3A_667, %add3A_660 : vector<1x128x512xi32>
      %add3A_669 = arith.addi %add3A_660, %xor3A_668 : vector<1x128x512xi32>
      %shift_left3A_670 = arith.constant 24 : i32
      %shift_left3A_671 = vector.broadcast %shift_left3A_670 : i32 to vector<1x128x512xi32>
      %shift_left3A_672 = arith.shli %xor3A_668, %shift_left3A_671 : vector<1x128x512xi32>
      %shift_right_logical3A_673 = arith.constant 8 : i32
      %shift_right_logical3A_674 = vector.broadcast %shift_right_logical3A_673 : i32 to vector<1x128x512xi32>
      %shift_right_logical3A_675 = arith.shrui %xor3A_668, %shift_right_logical3A_674 : vector<1x128x512xi32>
      %or3A_676 = arith.ori %shift_left3A_672, %shift_right_logical3A_675 : vector<1x128x512xi32>
      %xor3A_677 = arith.xori %or3A_676, %add3A_669 : vector<1x128x512xi32>
      %add3A_678 = arith.constant 466688987 : i32
      %add3A_679 = vector.broadcast %add3A_678 : i32 to vector<1x128x512xi32>
      %add3A_680 = arith.addi %add3A_669, %add3A_679 : vector<1x128x512xi32>
      %add3A_681 = arith.constant 2 : i32
      %add3A_682 = vector.broadcast %add3A_681 : i32 to vector<1x128x512xi32>
      %add3A_683 = arith.addi %xor3A_677, %add3A_682 : vector<1x128x512xi32>
      %add3A_684 = arith.addi %add3A_680, %add3A_683 : vector<1x128x512xi32>
      %shift_left3A_685 = arith.constant 13 : i32
      %shift_left3A_686 = vector.broadcast %shift_left3A_685 : i32 to vector<1x128x512xi32>
      %shift_left3A_687 = arith.shli %add3A_683, %shift_left3A_686 : vector<1x128x512xi32>
      %shift_right_logical3A_688 = arith.constant 19 : i32
      %shift_right_logical3A_689 = vector.broadcast %shift_right_logical3A_688 : i32 to vector<1x128x512xi32>
      %shift_right_logical3A_690 = arith.shrui %add3A_683, %shift_right_logical3A_689 : vector<1x128x512xi32>
      %or3A_691 = arith.ori %shift_left3A_687, %shift_right_logical3A_690 : vector<1x128x512xi32>
      %xor3A_692 = arith.xori %or3A_691, %add3A_684 : vector<1x128x512xi32>
      %add3A_693 = arith.addi %add3A_684, %xor3A_692 : vector<1x128x512xi32>
      %shift_left3A_694 = arith.constant 15 : i32
      %shift_left3A_695 = vector.broadcast %shift_left3A_694 : i32 to vector<1x128x512xi32>
      %shift_left3A_696 = arith.shli %xor3A_692, %shift_left3A_695 : vector<1x128x512xi32>
      %shift_right_logical3A_697 = arith.constant 17 : i32
      %shift_right_logical3A_698 = vector.broadcast %shift_right_logical3A_697 : i32 to vector<1x128x512xi32>
      %shift_right_logical3A_699 = arith.shrui %xor3A_692, %shift_right_logical3A_698 : vector<1x128x512xi32>
      %or3A_700 = arith.ori %shift_left3A_696, %shift_right_logical3A_699 : vector<1x128x512xi32>
      %xor3A_701 = arith.xori %or3A_700, %add3A_693 : vector<1x128x512xi32>
      %add3A_702 = arith.addi %add3A_693, %xor3A_701 : vector<1x128x512xi32>
      %shift_left3A_703 = arith.constant 26 : i32
      %shift_left3A_704 = vector.broadcast %shift_left3A_703 : i32 to vector<1x128x512xi32>
      %shift_left3A_705 = arith.shli %xor3A_701, %shift_left3A_704 : vector<1x128x512xi32>
      %shift_right_logical3A_706 = arith.constant 6 : i32
      %shift_right_logical3A_707 = vector.broadcast %shift_right_logical3A_706 : i32 to vector<1x128x512xi32>
      %shift_right_logical3A_708 = arith.shrui %xor3A_701, %shift_right_logical3A_707 : vector<1x128x512xi32>
      %or3A_709 = arith.ori %shift_left3A_705, %shift_right_logical3A_708 : vector<1x128x512xi32>
      %xor3A_710 = arith.xori %or3A_709, %add3A_702 : vector<1x128x512xi32>
      %add3A_711 = arith.addi %add3A_702, %xor3A_710 : vector<1x128x512xi32>
      %shift_left3A_712 = arith.constant 6 : i32
      %shift_left3A_713 = vector.broadcast %shift_left3A_712 : i32 to vector<1x128x512xi32>
      %shift_left3A_714 = arith.shli %xor3A_710, %shift_left3A_713 : vector<1x128x512xi32>
      %shift_right_logical3A_715 = arith.constant 26 : i32
      %shift_right_logical3A_716 = vector.broadcast %shift_right_logical3A_715 : i32 to vector<1x128x512xi32>
      %shift_right_logical3A_717 = arith.shrui %xor3A_710, %shift_right_logical3A_716 : vector<1x128x512xi32>
      %or3A_718 = arith.ori %shift_left3A_714, %shift_right_logical3A_717 : vector<1x128x512xi32>
      %xor3A_719 = arith.xori %or3A_718, %add3A_711 : vector<1x128x512xi32>
      %add3A_720 = arith.constant 4 : i32
      %add3A_721 = vector.broadcast %add3A_720 : i32 to vector<1x128x512xi32>
      %add3A_722 = arith.addi %xor3A_719, %add3A_721 : vector<1x128x512xi32>
      %add3A_723 = arith.addi %add3A_711, %add3A_722 : vector<1x128x512xi32>
      %shift_left3A_724 = arith.constant 17 : i32
      %shift_left3A_725 = vector.broadcast %shift_left3A_724 : i32 to vector<1x128x512xi32>
      %shift_left3A_726 = arith.shli %add3A_722, %shift_left3A_725 : vector<1x128x512xi32>
      %shift_right_logical3A_727 = arith.constant 15 : i32
      %shift_right_logical3A_728 = vector.broadcast %shift_right_logical3A_727 : i32 to vector<1x128x512xi32>
      %shift_right_logical3A_729 = arith.shrui %add3A_722, %shift_right_logical3A_728 : vector<1x128x512xi32>
      %or3A_730 = arith.ori %shift_left3A_726, %shift_right_logical3A_729 : vector<1x128x512xi32>
      %xor3A_731 = arith.xori %or3A_730, %add3A_723 : vector<1x128x512xi32>
      %add3A_732 = arith.addi %add3A_723, %xor3A_731 : vector<1x128x512xi32>
      %shift_left3A_733 = arith.constant 29 : i32
      %shift_left3A_734 = vector.broadcast %shift_left3A_733 : i32 to vector<1x128x512xi32>
      %shift_left3A_735 = arith.shli %xor3A_731, %shift_left3A_734 : vector<1x128x512xi32>
      %shift_right_logical3A_736 = arith.constant 3 : i32
      %shift_right_logical3A_737 = vector.broadcast %shift_right_logical3A_736 : i32 to vector<1x128x512xi32>
      %shift_right_logical3A_738 = arith.shrui %xor3A_731, %shift_right_logical3A_737 : vector<1x128x512xi32>
      %or3A_739 = arith.ori %shift_left3A_735, %shift_right_logical3A_738 : vector<1x128x512xi32>
      %xor3A_740 = arith.xori %or3A_739, %add3A_732 : vector<1x128x512xi32>
      %add3A_741 = arith.addi %add3A_732, %xor3A_740 : vector<1x128x512xi32>
      %shift_left3A_742 = arith.constant 16 : i32
      %shift_left3A_743 = vector.broadcast %shift_left3A_742 : i32 to vector<1x128x512xi32>
      %shift_left3A_744 = arith.shli %xor3A_740, %shift_left3A_743 : vector<1x128x512xi32>
      %shift_right_logical3A_745 = arith.constant 16 : i32
      %shift_right_logical3A_746 = vector.broadcast %shift_right_logical3A_745 : i32 to vector<1x128x512xi32>
      %shift_right_logical3A_747 = arith.shrui %xor3A_740, %shift_right_logical3A_746 : vector<1x128x512xi32>
      %or3A_748 = arith.ori %shift_left3A_744, %shift_right_logical3A_747 : vector<1x128x512xi32>
      %xor3A_749 = arith.xori %or3A_748, %add3A_741 : vector<1x128x512xi32>
      %add3A_750 = arith.addi %add3A_741, %xor3A_749 : vector<1x128x512xi32>
      %shift_left3A_751 = arith.constant 24 : i32
      %shift_left3A_752 = vector.broadcast %shift_left3A_751 : i32 to vector<1x128x512xi32>
      %shift_left3A_753 = arith.shli %xor3A_749, %shift_left3A_752 : vector<1x128x512xi32>
      %shift_right_logical3A_754 = arith.constant 8 : i32
      %shift_right_logical3A_755 = vector.broadcast %shift_right_logical3A_754 : i32 to vector<1x128x512xi32>
      %shift_right_logical3A_756 = arith.shrui %xor3A_749, %shift_right_logical3A_755 : vector<1x128x512xi32>
      %or3A_757 = arith.ori %shift_left3A_753, %shift_right_logical3A_756 : vector<1x128x512xi32>
      %xor3A_758 = arith.xori %or3A_757, %add3A_750 : vector<1x128x512xi32>
      %add3A_759 = arith.constant 1 : i32
      %add3A_760 = vector.broadcast %add3A_759 : i32 to vector<1x128x512xi32>
      %add3A_761 = arith.addi %add3A_750, %add3A_760 : vector<1x128x512xi32>
      %add3A_762 = arith.constant 466688991 : i32
      %add3A_763 = vector.broadcast %add3A_762 : i32 to vector<1x128x512xi32>
      %add3A_764 = arith.addi %xor3A_758, %add3A_763 : vector<1x128x512xi32>
      %add3A_765 = arith.addi %add3A_761, %add3A_764 : vector<1x128x512xi32>
      %shift_left3A_766 = arith.constant 13 : i32
      %shift_left3A_767 = vector.broadcast %shift_left3A_766 : i32 to vector<1x128x512xi32>
      %shift_left3A_768 = arith.shli %add3A_764, %shift_left3A_767 : vector<1x128x512xi32>
      %shift_right_logical3A_769 = arith.constant 19 : i32
      %shift_right_logical3A_770 = vector.broadcast %shift_right_logical3A_769 : i32 to vector<1x128x512xi32>
      %shift_right_logical3A_771 = arith.shrui %add3A_764, %shift_right_logical3A_770 : vector<1x128x512xi32>
      %or3A_772 = arith.ori %shift_left3A_768, %shift_right_logical3A_771 : vector<1x128x512xi32>
      %xor3A_773 = arith.xori %or3A_772, %add3A_765 : vector<1x128x512xi32>
      %add3A_774 = arith.addi %add3A_765, %xor3A_773 : vector<1x128x512xi32>
      %shift_left3A_775 = arith.constant 15 : i32
      %shift_left3A_776 = vector.broadcast %shift_left3A_775 : i32 to vector<1x128x512xi32>
      %shift_left3A_777 = arith.shli %xor3A_773, %shift_left3A_776 : vector<1x128x512xi32>
      %shift_right_logical3A_778 = arith.constant 17 : i32
      %shift_right_logical3A_779 = vector.broadcast %shift_right_logical3A_778 : i32 to vector<1x128x512xi32>
      %shift_right_logical3A_780 = arith.shrui %xor3A_773, %shift_right_logical3A_779 : vector<1x128x512xi32>
      %or3A_781 = arith.ori %shift_left3A_777, %shift_right_logical3A_780 : vector<1x128x512xi32>
      %xor3A_782 = arith.xori %or3A_781, %add3A_774 : vector<1x128x512xi32>
      %add3A_783 = arith.addi %add3A_774, %xor3A_782 : vector<1x128x512xi32>
      %shift_left3A_784 = arith.constant 26 : i32
      %shift_left3A_785 = vector.broadcast %shift_left3A_784 : i32 to vector<1x128x512xi32>
      %shift_left3A_786 = arith.shli %xor3A_782, %shift_left3A_785 : vector<1x128x512xi32>
      %shift_right_logical3A_787 = arith.constant 6 : i32
      %shift_right_logical3A_788 = vector.broadcast %shift_right_logical3A_787 : i32 to vector<1x128x512xi32>
      %shift_right_logical3A_789 = arith.shrui %xor3A_782, %shift_right_logical3A_788 : vector<1x128x512xi32>
      %or3A_790 = arith.ori %shift_left3A_786, %shift_right_logical3A_789 : vector<1x128x512xi32>
      %xor3A_791 = arith.xori %or3A_790, %add3A_783 : vector<1x128x512xi32>
      %add3A_792 = arith.addi %add3A_783, %xor3A_791 : vector<1x128x512xi32>
      %shift_left3A_793 = arith.constant 6 : i32
      %shift_left3A_794 = vector.broadcast %shift_left3A_793 : i32 to vector<1x128x512xi32>
      %shift_left3A_795 = arith.shli %xor3A_791, %shift_left3A_794 : vector<1x128x512xi32>
      %shift_right_logical3A_796 = arith.constant 26 : i32
      %shift_right_logical3A_797 = vector.broadcast %shift_right_logical3A_796 : i32 to vector<1x128x512xi32>
      %shift_right_logical3A_798 = arith.shrui %xor3A_791, %shift_right_logical3A_797 : vector<1x128x512xi32>
      %or3A_799 = arith.ori %shift_left3A_795, %shift_right_logical3A_798 : vector<1x128x512xi32>
      %xor3A_800 = arith.xori %or3A_799, %add3A_792 : vector<1x128x512xi32>
      %add3A_801 = arith.constant 466688987 : i32
      %add3A_802 = vector.broadcast %add3A_801 : i32 to vector<1x128x512xi32>
      %add3A_803 = arith.addi %add3A_792, %add3A_802 : vector<1x128x512xi32>
      %add3A_804 = arith.constant 5 : i32
      %add3A_805 = vector.broadcast %add3A_804 : i32 to vector<1x128x512xi32>
      %add3A_806 = arith.addi %xor3A_800, %add3A_805 : vector<1x128x512xi32>
      %xor3A_807 = arith.xori %add3A_803, %add3A_806 : vector<1x128x512xi32>
      %shift_right_logical3A_808 = arith.constant 9 : i32
      %shift_right_logical3A_809 = vector.broadcast %shift_right_logical3A_808 : i32 to vector<1x128x512xi32>
      %shift_right_logical3A_810 = arith.shrui %xor3A_807, %shift_right_logical3A_809 : vector<1x128x512xi32>
      %or3A_811 = arith.constant 1073741824 : i32
      %or3A_812 = vector.broadcast %or3A_811 : i32 to vector<1x128x512xi32>
      %or3A_813 = arith.ori %shift_right_logical3A_810, %or3A_812 : vector<1x128x512xi32>
      %bitcast_convert_type3A_814 = tpu.bitcast %or3A_813 : vector<1x128x512xi32> -> vector<1x128x512xf32>
      %sub3A_815 = arith.constant 3.000000e+00 : f32
      %sub3A_816 = vector.broadcast %sub3A_815 : f32 to vector<1x128x512xf32>
      %sub3A_817 = arith.subf %bitcast_convert_type3A_814, %sub3A_816 : vector<1x128x512xf32>
      %max3A_818 = arith.constant -0.99999994 : f32
      %max3A_819 = vector.broadcast %max3A_818 : f32 to vector<1x128x512xf32>
      %max3A_820 = arith.maximumf %max3A_819, %sub3A_817 : vector<1x128x512xf32>
      %mul3A_821 = arith.mulf %max3A_820, %max3A_820 : vector<1x128x512xf32>
      %sub3A_822 = arith.constant 1.000000e+00 : f32
      %sub3A_823 = vector.broadcast %sub3A_822 : f32 to vector<1x128x512xf32>
      %sub3A_824 = arith.subf %sub3A_823, %mul3A_821 : vector<1x128x512xf32>
      %log3A_825 = math.log %sub3A_824 : vector<1x128x512xf32>
      %sub3A_826 = arith.constant 1.000000e+00 : f32
      %sub3A_827 = vector.broadcast %sub3A_826 : f32 to vector<1x128x512xf32>
      %sub3A_828 = arith.subf %sub3A_827, %log3A_825 : vector<1x128x512xf32>
      %rsqrt3A_829 = math.rsqrt %sub3A_828 : vector<1x128x512xf32>
      %sub3A_830 = arith.constant 0.621473848 : f32
      %sub3A_831 = vector.broadcast %sub3A_830 : f32 to vector<1x128x512xf32>
      %sub3A_832 = arith.subf %rsqrt3A_829, %sub3A_831 : vector<1x128x512xf32>
      %broadcast_in_dim3A_833 = arith.constant 462.285919 : f32
      %broadcast_in_dim3A_834 = vector.broadcast %broadcast_in_dim3A_833 : f32 to vector<1x128x512xf32>
      %mul3A_835 = arith.mulf %broadcast_in_dim3A_834, %sub3A_832 : vector<1x128x512xf32>
      %add3A_836 = arith.constant -179.910431 : f32
      %add3A_837 = vector.broadcast %add3A_836 : f32 to vector<1x128x512xf32>
      %add3A_838 = arith.addf %mul3A_835, %add3A_837 : vector<1x128x512xf32>
      %mul3A_839 = arith.mulf %add3A_838, %sub3A_832 : vector<1x128x512xf32>
      %add3A_840 = arith.constant -48.6085052 : f32
      %add3A_841 = vector.broadcast %add3A_840 : f32 to vector<1x128x512xf32>
      %add3A_842 = arith.addf %mul3A_839, %add3A_841 : vector<1x128x512xf32>
      %mul3A_843 = arith.mulf %add3A_842, %sub3A_832 : vector<1x128x512xf32>
      %add3A_844 = arith.constant 3.1611793 : f32
      %add3A_845 = vector.broadcast %add3A_844 : f32 to vector<1x128x512xf32>
      %add3A_846 = arith.addf %mul3A_843, %add3A_845 : vector<1x128x512xf32>
      %mul3A_847 = arith.mulf %add3A_846, %sub3A_832 : vector<1x128x512xf32>
      %add3A_848 = arith.constant 2.243800e+01 : f32
      %add3A_849 = vector.broadcast %add3A_848 : f32 to vector<1x128x512xf32>
      %add3A_850 = arith.addf %mul3A_847, %add3A_849 : vector<1x128x512xf32>
      %mul3A_851 = arith.mulf %add3A_850, %sub3A_832 : vector<1x128x512xf32>
      %add3A_852 = arith.constant -14.5774736 : f32
      %add3A_853 = vector.broadcast %add3A_852 : f32 to vector<1x128x512xf32>
      %add3A_854 = arith.addf %mul3A_851, %add3A_853 : vector<1x128x512xf32>
      %mul3A_855 = arith.mulf %add3A_854, %sub3A_832 : vector<1x128x512xf32>
      %add3A_856 = arith.constant 7.13013601 : f32
      %add3A_857 = vector.broadcast %add3A_856 : f32 to vector<1x128x512xf32>
      %add3A_858 = arith.addf %mul3A_855, %add3A_857 : vector<1x128x512xf32>
      %mul3A_859 = arith.mulf %add3A_858, %sub3A_832 : vector<1x128x512xf32>
      %add3A_860 = arith.constant -2.94416785 : f32
      %add3A_861 = vector.broadcast %add3A_860 : f32 to vector<1x128x512xf32>
      %add3A_862 = arith.addf %mul3A_859, %add3A_861 : vector<1x128x512xf32>
      %mul3A_863 = arith.mulf %add3A_862, %sub3A_832 : vector<1x128x512xf32>
      %add3A_864 = arith.constant 1.80228829 : f32
      %add3A_865 = vector.broadcast %add3A_864 : f32 to vector<1x128x512xf32>
      %add3A_866 = arith.addf %mul3A_863, %add3A_865 : vector<1x128x512xf32>
      %mul3A_867 = arith.mulf %max3A_820, %add3A_866 : vector<1x128x512xf32>
      %swap3A_868 = arith.constant 0 : index
      %swap3A_869 = arith.index_cast %mul3A_595 : i32 to index
      %swap3A_870 = arith.constant 0 : index
      %swap3A_871 = vector.load %arg5[%swap3A_868, %swap3A_869, %swap3A_870] : memref<1x1024x512xf32, #tpu.memory_space<vmem>>, vector<1x128x512xf32>
      tpu.vector_store %arg5[%swap3A_868, %swap3A_869, %swap3A_870], %mul3A_867 {strides = array<i32>} : memref<1x1024x512xf32, #tpu.memory_space<vmem>>, vector<1x128x512xf32>,
      %get3A_872 = arith.constant 0 : index
      %get3A_873 = arith.index_cast %mul3A_595 : i32 to index
      %get3A_874 = arith.constant 0 : index
      %get3A_875 = vector.load %arg3[%get3A_872, %get3A_873, %get3A_874] : memref<1x1024x512xf32, #tpu.memory_space<vmem>>, vector<1x128x512xf32>
      %mul3A_876 = vector.broadcast %sqrt3A : f32 to vector<1x128x512xf32>
      %mul3A_877 = arith.mulf %mul3A_876, %get3A_875 : vector<1x128x512xf32>
      %mul3A_878 = vector.broadcast %sqrt3A_2 : f32 to vector<1x128x512xf32>
      %mul3A_879 = arith.mulf %mul3A_878, %mul3A_867 : vector<1x128x512xf32>
      %add3A_880 = arith.addf %mul3A_877, %mul3A_879 : vector<1x128x512xf32>
      %swap3A_881 = arith.constant 0 : index
      %swap3A_882 = arith.index_cast %mul3A_595 : i32 to index
      %swap3A_883 = arith.constant 0 : index
      %swap3A_884 = vector.load %arg4[%swap3A_881, %swap3A_882, %swap3A_883] : memref<1x1024x512xf32, #tpu.memory_space<vmem>>, vector<1x128x512xf32>
      tpu.vector_store %arg4[%swap3A_881, %swap3A_882, %swap3A_883], %add3A_880 {strides = array<i32>} : memref<1x1024x512xf32, #tpu.memory_space<vmem>>, vector<1x128x512xf32>,
      %scan3A_885 = arith.constant 3 : i32
      %scan3A_886 = arith.addi %scan3A_17, %scan3A_885 : i32
      %mul3A_887 = arith.constant 128 : i32
      %mul3A_888 = arith.muli %scan3A_886, %mul3A_887 : i32
      %mul3A_889 = arith.constant 65536 : i32
      %mul3A_890 = arith.muli %scan3A_886, %mul3A_889 : i32
      %add3A_891 = arith.addi %add3A_7, %mul3A_890 : i32
      %add3A_892 = vector.broadcast %add3A_891 : i32 to vector<1x128x512xi32>
      %add3A_893 = arith.addi %add3A_892, %add3A_12 : vector<1x128x512xi32>
      %shift_left3A_894 = arith.constant 13 : i32
      %shift_left3A_895 = vector.broadcast %shift_left3A_894 : i32 to vector<1x128x512xi32>
      %shift_left3A_896 = arith.shli %add3A_893, %shift_left3A_895 : vector<1x128x512xi32>
      %shift_right_logical3A_897 = arith.constant 19 : i32
      %shift_right_logical3A_898 = vector.broadcast %shift_right_logical3A_897 : i32 to vector<1x128x512xi32>
      %shift_right_logical3A_899 = arith.shrui %add3A_893, %shift_right_logical3A_898 : vector<1x128x512xi32>
      %or3A_900 = arith.ori %shift_left3A_896, %shift_right_logical3A_899 : vector<1x128x512xi32>
      %xor3A_901 = arith.xori %or3A_900, %add3A_893 : vector<1x128x512xi32>
      %add3A_902 = arith.addi %add3A_893, %xor3A_901 : vector<1x128x512xi32>
      %shift_left3A_903 = arith.constant 15 : i32
      %shift_left3A_904 = vector.broadcast %shift_left3A_903 : i32 to vector<1x128x512xi32>
      %shift_left3A_905 = arith.shli %xor3A_901, %shift_left3A_904 : vector<1x128x512xi32>
      %shift_right_logical3A_906 = arith.constant 17 : i32
      %shift_right_logical3A_907 = vector.broadcast %shift_right_logical3A_906 : i32 to vector<1x128x512xi32>
      %shift_right_logical3A_908 = arith.shrui %xor3A_901, %shift_right_logical3A_907 : vector<1x128x512xi32>
      %or3A_909 = arith.ori %shift_left3A_905, %shift_right_logical3A_908 : vector<1x128x512xi32>
      %xor3A_910 = arith.xori %or3A_909, %add3A_902 : vector<1x128x512xi32>
      %add3A_911 = arith.addi %add3A_902, %xor3A_910 : vector<1x128x512xi32>
      %shift_left3A_912 = arith.constant 26 : i32
      %shift_left3A_913 = vector.broadcast %shift_left3A_912 : i32 to vector<1x128x512xi32>
      %shift_left3A_914 = arith.shli %xor3A_910, %shift_left3A_913 : vector<1x128x512xi32>
      %shift_right_logical3A_915 = arith.constant 6 : i32
      %shift_right_logical3A_916 = vector.broadcast %shift_right_logical3A_915 : i32 to vector<1x128x512xi32>
      %shift_right_logical3A_917 = arith.shrui %xor3A_910, %shift_right_logical3A_916 : vector<1x128x512xi32>
      %or3A_918 = arith.ori %shift_left3A_914, %shift_right_logical3A_917 : vector<1x128x512xi32>
      %xor3A_919 = arith.xori %or3A_918, %add3A_911 : vector<1x128x512xi32>
      %add3A_920 = arith.addi %add3A_911, %xor3A_919 : vector<1x128x512xi32>
      %shift_left3A_921 = arith.constant 6 : i32
      %shift_left3A_922 = vector.broadcast %shift_left3A_921 : i32 to vector<1x128x512xi32>
      %shift_left3A_923 = arith.shli %xor3A_919, %shift_left3A_922 : vector<1x128x512xi32>
      %shift_right_logical3A_924 = arith.constant 26 : i32
      %shift_right_logical3A_925 = vector.broadcast %shift_right_logical3A_924 : i32 to vector<1x128x512xi32>
      %shift_right_logical3A_926 = arith.shrui %xor3A_919, %shift_right_logical3A_925 : vector<1x128x512xi32>
      %or3A_927 = arith.ori %shift_left3A_923, %shift_right_logical3A_926 : vector<1x128x512xi32>
      %xor3A_928 = arith.xori %or3A_927, %add3A_920 : vector<1x128x512xi32>
      %add3A_929 = arith.constant 1 : i32
      %add3A_930 = vector.broadcast %add3A_929 : i32 to vector<1x128x512xi32>
      %add3A_931 = arith.addi %add3A_920, %add3A_930 : vector<1x128x512xi32>
      %add3A_932 = arith.constant 466688988 : i32
      %add3A_933 = vector.broadcast %add3A_932 : i32 to vector<1x128x512xi32>
      %add3A_934 = arith.addi %xor3A_928, %add3A_933 : vector<1x128x512xi32>
      %add3A_935 = arith.addi %add3A_931, %add3A_934 : vector<1x128x512xi32>
      %shift_left3A_936 = arith.constant 17 : i32
      %shift_left3A_937 = vector.broadcast %shift_left3A_936 : i32 to vector<1x128x512xi32>
      %shift_left3A_938 = arith.shli %add3A_934, %shift_left3A_937 : vector<1x128x512xi32>
      %shift_right_logical3A_939 = arith.constant 15 : i32
      %shift_right_logical3A_940 = vector.broadcast %shift_right_logical3A_939 : i32 to vector<1x128x512xi32>
      %shift_right_logical3A_941 = arith.shrui %add3A_934, %shift_right_logical3A_940 : vector<1x128x512xi32>
      %or3A_942 = arith.ori %shift_left3A_938, %shift_right_logical3A_941 : vector<1x128x512xi32>
      %xor3A_943 = arith.xori %or3A_942, %add3A_935 : vector<1x128x512xi32>
      %add3A_944 = arith.addi %add3A_935, %xor3A_943 : vector<1x128x512xi32>
      %shift_left3A_945 = arith.constant 29 : i32
      %shift_left3A_946 = vector.broadcast %shift_left3A_945 : i32 to vector<1x128x512xi32>
      %shift_left3A_947 = arith.shli %xor3A_943, %shift_left3A_946 : vector<1x128x512xi32>
      %shift_right_logical3A_948 = arith.constant 3 : i32
      %shift_right_logical3A_949 = vector.broadcast %shift_right_logical3A_948 : i32 to vector<1x128x512xi32>
      %shift_right_logical3A_950 = arith.shrui %xor3A_943, %shift_right_logical3A_949 : vector<1x128x512xi32>
      %or3A_951 = arith.ori %shift_left3A_947, %shift_right_logical3A_950 : vector<1x128x512xi32>
      %xor3A_952 = arith.xori %or3A_951, %add3A_944 : vector<1x128x512xi32>
      %add3A_953 = arith.addi %add3A_944, %xor3A_952 : vector<1x128x512xi32>
      %shift_left3A_954 = arith.constant 16 : i32
      %shift_left3A_955 = vector.broadcast %shift_left3A_954 : i32 to vector<1x128x512xi32>
      %shift_left3A_956 = arith.shli %xor3A_952, %shift_left3A_955 : vector<1x128x512xi32>
      %shift_right_logical3A_957 = arith.constant 16 : i32
      %shift_right_logical3A_958 = vector.broadcast %shift_right_logical3A_957 : i32 to vector<1x128x512xi32>
      %shift_right_logical3A_959 = arith.shrui %xor3A_952, %shift_right_logical3A_958 : vector<1x128x512xi32>
      %or3A_960 = arith.ori %shift_left3A_956, %shift_right_logical3A_959 : vector<1x128x512xi32>
      %xor3A_961 = arith.xori %or3A_960, %add3A_953 : vector<1x128x512xi32>
      %add3A_962 = arith.addi %add3A_953, %xor3A_961 : vector<1x128x512xi32>
      %shift_left3A_963 = arith.constant 24 : i32
      %shift_left3A_964 = vector.broadcast %shift_left3A_963 : i32 to vector<1x128x512xi32>
      %shift_left3A_965 = arith.shli %xor3A_961, %shift_left3A_964 : vector<1x128x512xi32>
      %shift_right_logical3A_966 = arith.constant 8 : i32
      %shift_right_logical3A_967 = vector.broadcast %shift_right_logical3A_966 : i32 to vector<1x128x512xi32>
      %shift_right_logical3A_968 = arith.shrui %xor3A_961, %shift_right_logical3A_967 : vector<1x128x512xi32>
      %or3A_969 = arith.ori %shift_left3A_965, %shift_right_logical3A_968 : vector<1x128x512xi32>
      %xor3A_970 = arith.xori %or3A_969, %add3A_962 : vector<1x128x512xi32>
      %add3A_971 = arith.constant 466688987 : i32
      %add3A_972 = vector.broadcast %add3A_971 : i32 to vector<1x128x512xi32>
      %add3A_973 = arith.addi %add3A_962, %add3A_972 : vector<1x128x512xi32>
      %add3A_974 = arith.constant 2 : i32
      %add3A_975 = vector.broadcast %add3A_974 : i32 to vector<1x128x512xi32>
      %add3A_976 = arith.addi %xor3A_970, %add3A_975 : vector<1x128x512xi32>
      %add3A_977 = arith.addi %add3A_973, %add3A_976 : vector<1x128x512xi32>
      %shift_left3A_978 = arith.constant 13 : i32
      %shift_left3A_979 = vector.broadcast %shift_left3A_978 : i32 to vector<1x128x512xi32>
      %shift_left3A_980 = arith.shli %add3A_976, %shift_left3A_979 : vector<1x128x512xi32>
      %shift_right_logical3A_981 = arith.constant 19 : i32
      %shift_right_logical3A_982 = vector.broadcast %shift_right_logical3A_981 : i32 to vector<1x128x512xi32>
      %shift_right_logical3A_983 = arith.shrui %add3A_976, %shift_right_logical3A_982 : vector<1x128x512xi32>
      %or3A_984 = arith.ori %shift_left3A_980, %shift_right_logical3A_983 : vector<1x128x512xi32>
      %xor3A_985 = arith.xori %or3A_984, %add3A_977 : vector<1x128x512xi32>
      %add3A_986 = arith.addi %add3A_977, %xor3A_985 : vector<1x128x512xi32>
      %shift_left3A_987 = arith.constant 15 : i32
      %shift_left3A_988 = vector.broadcast %shift_left3A_987 : i32 to vector<1x128x512xi32>
      %shift_left3A_989 = arith.shli %xor3A_985, %shift_left3A_988 : vector<1x128x512xi32>
      %shift_right_logical3A_990 = arith.constant 17 : i32
      %shift_right_logical3A_991 = vector.broadcast %shift_right_logical3A_990 : i32 to vector<1x128x512xi32>
      %shift_right_logical3A_992 = arith.shrui %xor3A_985, %shift_right_logical3A_991 : vector<1x128x512xi32>
      %or3A_993 = arith.ori %shift_left3A_989, %shift_right_logical3A_992 : vector<1x128x512xi32>
      %xor3A_994 = arith.xori %or3A_993, %add3A_986 : vector<1x128x512xi32>
      %add3A_995 = arith.addi %add3A_986, %xor3A_994 : vector<1x128x512xi32>
      %shift_left3A_996 = arith.constant 26 : i32
      %shift_left3A_997 = vector.broadcast %shift_left3A_996 : i32 to vector<1x128x512xi32>
      %shift_left3A_998 = arith.shli %xor3A_994, %shift_left3A_997 : vector<1x128x512xi32>
      %shift_right_logical3A_999 = arith.constant 6 : i32
      %shift_right_logical3A_1000 = vector.broadcast %shift_right_logical3A_999 : i32 to vector<1x128x512xi32>
      %shift_right_logical3A_1001 = arith.shrui %xor3A_994, %shift_right_logical3A_1000 : vector<1x128x512xi32>
      %or3A_1002 = arith.ori %shift_left3A_998, %shift_right_logical3A_1001 : vector<1x128x512xi32>
      %xor3A_1003 = arith.xori %or3A_1002, %add3A_995 : vector<1x128x512xi32>
      %add3A_1004 = arith.addi %add3A_995, %xor3A_1003 : vector<1x128x512xi32>
      %shift_left3A_1005 = arith.constant 6 : i32
      %shift_left3A_1006 = vector.broadcast %shift_left3A_1005 : i32 to vector<1x128x512xi32>
      %shift_left3A_1007 = arith.shli %xor3A_1003, %shift_left3A_1006 : vector<1x128x512xi32>
      %shift_right_logical3A_1008 = arith.constant 26 : i32
      %shift_right_logical3A_1009 = vector.broadcast %shift_right_logical3A_1008 : i32 to vector<1x128x512xi32>
      %shift_right_logical3A_1010 = arith.shrui %xor3A_1003, %shift_right_logical3A_1009 : vector<1x128x512xi32>
      %or3A_1011 = arith.ori %shift_left3A_1007, %shift_right_logical3A_1010 : vector<1x128x512xi32>
      %xor3A_1012 = arith.xori %or3A_1011, %add3A_1004 : vector<1x128x512xi32>
      %add3A_1013 = arith.constant 4 : i32
      %add3A_1014 = vector.broadcast %add3A_1013 : i32 to vector<1x128x512xi32>
      %add3A_1015 = arith.addi %xor3A_1012, %add3A_1014 : vector<1x128x512xi32>
      %add3A_1016 = arith.addi %add3A_1004, %add3A_1015 : vector<1x128x512xi32>
      %shift_left3A_1017 = arith.constant 17 : i32
      %shift_left3A_1018 = vector.broadcast %shift_left3A_1017 : i32 to vector<1x128x512xi32>
      %shift_left3A_1019 = arith.shli %add3A_1015, %shift_left3A_1018 : vector<1x128x512xi32>
      %shift_right_logical3A_1020 = arith.constant 15 : i32
      %shift_right_logical3A_1021 = vector.broadcast %shift_right_logical3A_1020 : i32 to vector<1x128x512xi32>
      %shift_right_logical3A_1022 = arith.shrui %add3A_1015, %shift_right_logical3A_1021 : vector<1x128x512xi32>
      %or3A_1023 = arith.ori %shift_left3A_1019, %shift_right_logical3A_1022 : vector<1x128x512xi32>
      %xor3A_1024 = arith.xori %or3A_1023, %add3A_1016 : vector<1x128x512xi32>
      %add3A_1025 = arith.addi %add3A_1016, %xor3A_1024 : vector<1x128x512xi32>
      %shift_left3A_1026 = arith.constant 29 : i32
      %shift_left3A_1027 = vector.broadcast %shift_left3A_1026 : i32 to vector<1x128x512xi32>
      %shift_left3A_1028 = arith.shli %xor3A_1024, %shift_left3A_1027 : vector<1x128x512xi32>
      %shift_right_logical3A_1029 = arith.constant 3 : i32
      %shift_right_logical3A_1030 = vector.broadcast %shift_right_logical3A_1029 : i32 to vector<1x128x512xi32>
      %shift_right_logical3A_1031 = arith.shrui %xor3A_1024, %shift_right_logical3A_1030 : vector<1x128x512xi32>
      %or3A_1032 = arith.ori %shift_left3A_1028, %shift_right_logical3A_1031 : vector<1x128x512xi32>
      %xor3A_1033 = arith.xori %or3A_1032, %add3A_1025 : vector<1x128x512xi32>
      %add3A_1034 = arith.addi %add3A_1025, %xor3A_1033 : vector<1x128x512xi32>
      %shift_left3A_1035 = arith.constant 16 : i32
      %shift_left3A_1036 = vector.broadcast %shift_left3A_1035 : i32 to vector<1x128x512xi32>
      %shift_left3A_1037 = arith.shli %xor3A_1033, %shift_left3A_1036 : vector<1x128x512xi32>
      %shift_right_logical3A_1038 = arith.constant 16 : i32
      %shift_right_logical3A_1039 = vector.broadcast %shift_right_logical3A_1038 : i32 to vector<1x128x512xi32>
      %shift_right_logical3A_1040 = arith.shrui %xor3A_1033, %shift_right_logical3A_1039 : vector<1x128x512xi32>
      %or3A_1041 = arith.ori %shift_left3A_1037, %shift_right_logical3A_1040 : vector<1x128x512xi32>
      %xor3A_1042 = arith.xori %or3A_1041, %add3A_1034 : vector<1x128x512xi32>
      %add3A_1043 = arith.addi %add3A_1034, %xor3A_1042 : vector<1x128x512xi32>
      %shift_left3A_1044 = arith.constant 24 : i32
      %shift_left3A_1045 = vector.broadcast %shift_left3A_1044 : i32 to vector<1x128x512xi32>
      %shift_left3A_1046 = arith.shli %xor3A_1042, %shift_left3A_1045 : vector<1x128x512xi32>
      %shift_right_logical3A_1047 = arith.constant 8 : i32
      %shift_right_logical3A_1048 = vector.broadcast %shift_right_logical3A_1047 : i32 to vector<1x128x512xi32>
      %shift_right_logical3A_1049 = arith.shrui %xor3A_1042, %shift_right_logical3A_1048 : vector<1x128x512xi32>
      %or3A_1050 = arith.ori %shift_left3A_1046, %shift_right_logical3A_1049 : vector<1x128x512xi32>
      %xor3A_1051 = arith.xori %or3A_1050, %add3A_1043 : vector<1x128x512xi32>
      %add3A_1052 = arith.constant 1 : i32
      %add3A_1053 = vector.broadcast %add3A_1052 : i32 to vector<1x128x512xi32>
      %add3A_1054 = arith.addi %add3A_1043, %add3A_1053 : vector<1x128x512xi32>
      %add3A_1055 = arith.constant 466688991 : i32
      %add3A_1056 = vector.broadcast %add3A_1055 : i32 to vector<1x128x512xi32>
      %add3A_1057 = arith.addi %xor3A_1051, %add3A_1056 : vector<1x128x512xi32>
      %add3A_1058 = arith.addi %add3A_1054, %add3A_1057 : vector<1x128x512xi32>
      %shift_left3A_1059 = arith.constant 13 : i32
      %shift_left3A_1060 = vector.broadcast %shift_left3A_1059 : i32 to vector<1x128x512xi32>
      %shift_left3A_1061 = arith.shli %add3A_1057, %shift_left3A_1060 : vector<1x128x512xi32>
      %shift_right_logical3A_1062 = arith.constant 19 : i32
      %shift_right_logical3A_1063 = vector.broadcast %shift_right_logical3A_1062 : i32 to vector<1x128x512xi32>
      %shift_right_logical3A_1064 = arith.shrui %add3A_1057, %shift_right_logical3A_1063 : vector<1x128x512xi32>
      %or3A_1065 = arith.ori %shift_left3A_1061, %shift_right_logical3A_1064 : vector<1x128x512xi32>
      %xor3A_1066 = arith.xori %or3A_1065, %add3A_1058 : vector<1x128x512xi32>
      %add3A_1067 = arith.addi %add3A_1058, %xor3A_1066 : vector<1x128x512xi32>
      %shift_left3A_1068 = arith.constant 15 : i32
      %shift_left3A_1069 = vector.broadcast %shift_left3A_1068 : i32 to vector<1x128x512xi32>
      %shift_left3A_1070 = arith.shli %xor3A_1066, %shift_left3A_1069 : vector<1x128x512xi32>
      %shift_right_logical3A_1071 = arith.constant 17 : i32
      %shift_right_logical3A_1072 = vector.broadcast %shift_right_logical3A_1071 : i32 to vector<1x128x512xi32>
      %shift_right_logical3A_1073 = arith.shrui %xor3A_1066, %shift_right_logical3A_1072 : vector<1x128x512xi32>
      %or3A_1074 = arith.ori %shift_left3A_1070, %shift_right_logical3A_1073 : vector<1x128x512xi32>
      %xor3A_1075 = arith.xori %or3A_1074, %add3A_1067 : vector<1x128x512xi32>
      %add3A_1076 = arith.addi %add3A_1067, %xor3A_1075 : vector<1x128x512xi32>
      %shift_left3A_1077 = arith.constant 26 : i32
      %shift_left3A_1078 = vector.broadcast %shift_left3A_1077 : i32 to vector<1x128x512xi32>
      %shift_left3A_1079 = arith.shli %xor3A_1075, %shift_left3A_1078 : vector<1x128x512xi32>
      %shift_right_logical3A_1080 = arith.constant 6 : i32
      %shift_right_logical3A_1081 = vector.broadcast %shift_right_logical3A_1080 : i32 to vector<1x128x512xi32>
      %shift_right_logical3A_1082 = arith.shrui %xor3A_1075, %shift_right_logical3A_1081 : vector<1x128x512xi32>
      %or3A_1083 = arith.ori %shift_left3A_1079, %shift_right_logical3A_1082 : vector<1x128x512xi32>
      %xor3A_1084 = arith.xori %or3A_1083, %add3A_1076 : vector<1x128x512xi32>
      %add3A_1085 = arith.addi %add3A_1076, %xor3A_1084 : vector<1x128x512xi32>
      %shift_left3A_1086 = arith.constant 6 : i32
      %shift_left3A_1087 = vector.broadcast %shift_left3A_1086 : i32 to vector<1x128x512xi32>
      %shift_left3A_1088 = arith.shli %xor3A_1084, %shift_left3A_1087 : vector<1x128x512xi32>
      %shift_right_logical3A_1089 = arith.constant 26 : i32
      %shift_right_logical3A_1090 = vector.broadcast %shift_right_logical3A_1089 : i32 to vector<1x128x512xi32>
      %shift_right_logical3A_1091 = arith.shrui %xor3A_1084, %shift_right_logical3A_1090 : vector<1x128x512xi32>
      %or3A_1092 = arith.ori %shift_left3A_1088, %shift_right_logical3A_1091 : vector<1x128x512xi32>
      %xor3A_1093 = arith.xori %or3A_1092, %add3A_1085 : vector<1x128x512xi32>
      %add3A_1094 = arith.constant 466688987 : i32
      %add3A_1095 = vector.broadcast %add3A_1094 : i32 to vector<1x128x512xi32>
      %add3A_1096 = arith.addi %add3A_1085, %add3A_1095 : vector<1x128x512xi32>
      %add3A_1097 = arith.constant 5 : i32
      %add3A_1098 = vector.broadcast %add3A_1097 : i32 to vector<1x128x512xi32>
      %add3A_1099 = arith.addi %xor3A_1093, %add3A_1098 : vector<1x128x512xi32>
      %xor3A_1100 = arith.xori %add3A_1096, %add3A_1099 : vector<1x128x512xi32>
      %shift_right_logical3A_1101 = arith.constant 9 : i32
      %shift_right_logical3A_1102 = vector.broadcast %shift_right_logical3A_1101 : i32 to vector<1x128x512xi32>
      %shift_right_logical3A_1103 = arith.shrui %xor3A_1100, %shift_right_logical3A_1102 : vector<1x128x512xi32>
      %or3A_1104 = arith.constant 1073741824 : i32
      %or3A_1105 = vector.broadcast %or3A_1104 : i32 to vector<1x128x512xi32>
      %or3A_1106 = arith.ori %shift_right_logical3A_1103, %or3A_1105 : vector<1x128x512xi32>
      %bitcast_convert_type3A_1107 = tpu.bitcast %or3A_1106 : vector<1x128x512xi32> -> vector<1x128x512xf32>
      %sub3A_1108 = arith.constant 3.000000e+00 : f32
      %sub3A_1109 = vector.broadcast %sub3A_1108 : f32 to vector<1x128x512xf32>
      %sub3A_1110 = arith.subf %bitcast_convert_type3A_1107, %sub3A_1109 : vector<1x128x512xf32>
      %max3A_1111 = arith.constant -0.99999994 : f32
      %max3A_1112 = vector.broadcast %max3A_1111 : f32 to vector<1x128x512xf32>
      %max3A_1113 = arith.maximumf %max3A_1112, %sub3A_1110 : vector<1x128x512xf32>
      %mul3A_1114 = arith.mulf %max3A_1113, %max3A_1113 : vector<1x128x512xf32>
      %sub3A_1115 = arith.constant 1.000000e+00 : f32
      %sub3A_1116 = vector.broadcast %sub3A_1115 : f32 to vector<1x128x512xf32>
      %sub3A_1117 = arith.subf %sub3A_1116, %mul3A_1114 : vector<1x128x512xf32>
      %log3A_1118 = math.log %sub3A_1117 : vector<1x128x512xf32>
      %sub3A_1119 = arith.constant 1.000000e+00 : f32
      %sub3A_1120 = vector.broadcast %sub3A_1119 : f32 to vector<1x128x512xf32>
      %sub3A_1121 = arith.subf %sub3A_1120, %log3A_1118 : vector<1x128x512xf32>
      %rsqrt3A_1122 = math.rsqrt %sub3A_1121 : vector<1x128x512xf32>
      %sub3A_1123 = arith.constant 0.621473848 : f32
      %sub3A_1124 = vector.broadcast %sub3A_1123 : f32 to vector<1x128x512xf32>
      %sub3A_1125 = arith.subf %rsqrt3A_1122, %sub3A_1124 : vector<1x128x512xf32>
      %broadcast_in_dim3A_1126 = arith.constant 462.285919 : f32
      %broadcast_in_dim3A_1127 = vector.broadcast %broadcast_in_dim3A_1126 : f32 to vector<1x128x512xf32>
      %mul3A_1128 = arith.mulf %broadcast_in_dim3A_1127, %sub3A_1125 : vector<1x128x512xf32>
      %add3A_1129 = arith.constant -179.910431 : f32
      %add3A_1130 = vector.broadcast %add3A_1129 : f32 to vector<1x128x512xf32>
      %add3A_1131 = arith.addf %mul3A_1128, %add3A_1130 : vector<1x128x512xf32>
      %mul3A_1132 = arith.mulf %add3A_1131, %sub3A_1125 : vector<1x128x512xf32>
      %add3A_1133 = arith.constant -48.6085052 : f32
      %add3A_1134 = vector.broadcast %add3A_1133 : f32 to vector<1x128x512xf32>
      %add3A_1135 = arith.addf %mul3A_1132, %add3A_1134 : vector<1x128x512xf32>
      %mul3A_1136 = arith.mulf %add3A_1135, %sub3A_1125 : vector<1x128x512xf32>
      %add3A_1137 = arith.constant 3.1611793 : f32
      %add3A_1138 = vector.broadcast %add3A_1137 : f32 to vector<1x128x512xf32>
      %add3A_1139 = arith.addf %mul3A_1136, %add3A_1138 : vector<1x128x512xf32>
      %mul3A_1140 = arith.mulf %add3A_1139, %sub3A_1125 : vector<1x128x512xf32>
      %add3A_1141 = arith.constant 2.243800e+01 : f32
      %add3A_1142 = vector.broadcast %add3A_1141 : f32 to vector<1x128x512xf32>
      %add3A_1143 = arith.addf %mul3A_1140, %add3A_1142 : vector<1x128x512xf32>
      %mul3A_1144 = arith.mulf %add3A_1143, %sub3A_1125 : vector<1x128x512xf32>
      %add3A_1145 = arith.constant -14.5774736 : f32
      %add3A_1146 = vector.broadcast %add3A_1145 : f32 to vector<1x128x512xf32>
      %add3A_1147 = arith.addf %mul3A_1144, %add3A_1146 : vector<1x128x512xf32>
      %mul3A_1148 = arith.mulf %add3A_1147, %sub3A_1125 : vector<1x128x512xf32>
      %add3A_1149 = arith.constant 7.13013601 : f32
      %add3A_1150 = vector.broadcast %add3A_1149 : f32 to vector<1x128x512xf32>
      %add3A_1151 = arith.addf %mul3A_1148, %add3A_1150 : vector<1x128x512xf32>
      %mul3A_1152 = arith.mulf %add3A_1151, %sub3A_1125 : vector<1x128x512xf32>
      %add3A_1153 = arith.constant -2.94416785 : f32
      %add3A_1154 = vector.broadcast %add3A_1153 : f32 to vector<1x128x512xf32>
      %add3A_1155 = arith.addf %mul3A_1152, %add3A_1154 : vector<1x128x512xf32>
      %mul3A_1156 = arith.mulf %add3A_1155, %sub3A_1125 : vector<1x128x512xf32>
      %add3A_1157 = arith.constant 1.80228829 : f32
      %add3A_1158 = vector.broadcast %add3A_1157 : f32 to vector<1x128x512xf32>
      %add3A_1159 = arith.addf %mul3A_1156, %add3A_1158 : vector<1x128x512xf32>
      %mul3A_1160 = arith.mulf %max3A_1113, %add3A_1159 : vector<1x128x512xf32>
      %swap3A_1161 = arith.constant 0 : index
      %swap3A_1162 = arith.index_cast %mul3A_888 : i32 to index
      %swap3A_1163 = arith.constant 0 : index
      %swap3A_1164 = vector.load %arg5[%swap3A_1161, %swap3A_1162, %swap3A_1163] : memref<1x1024x512xf32, #tpu.memory_space<vmem>>, vector<1x128x512xf32>
      tpu.vector_store %arg5[%swap3A_1161, %swap3A_1162, %swap3A_1163], %mul3A_1160 {strides = array<i32>} : memref<1x1024x512xf32, #tpu.memory_space<vmem>>, vector<1x128x512xf32>,
      %get3A_1165 = arith.constant 0 : index
      %get3A_1166 = arith.index_cast %mul3A_888 : i32 to index
      %get3A_1167 = arith.constant 0 : index
      %get3A_1168 = vector.load %arg3[%get3A_1165, %get3A_1166, %get3A_1167] : memref<1x1024x512xf32, #tpu.memory_space<vmem>>, vector<1x128x512xf32>
      %mul3A_1169 = vector.broadcast %sqrt3A : f32 to vector<1x128x512xf32>
      %mul3A_1170 = arith.mulf %mul3A_1169, %get3A_1168 : vector<1x128x512xf32>
      %mul3A_1171 = vector.broadcast %sqrt3A_2 : f32 to vector<1x128x512xf32>
      %mul3A_1172 = arith.mulf %mul3A_1171, %mul3A_1160 : vector<1x128x512xf32>
      %add3A_1173 = arith.addf %mul3A_1170, %mul3A_1172 : vector<1x128x512xf32>
      %swap3A_1174 = arith.constant 0 : index
      %swap3A_1175 = arith.index_cast %mul3A_888 : i32 to index
      %swap3A_1176 = arith.constant 0 : index
      %swap3A_1177 = vector.load %arg4[%swap3A_1174, %swap3A_1175, %swap3A_1176] : memref<1x1024x512xf32, #tpu.memory_space<vmem>>, vector<1x128x512xf32>
      tpu.vector_store %arg4[%swap3A_1174, %swap3A_1175, %swap3A_1176], %add3A_1173 {strides = array<i32>} : memref<1x1024x512xf32, #tpu.memory_space<vmem>>, vector<1x128x512xf32>,
    }
    %scan3A_16 = arith.constant 8 : i32
    return
  }
  func.func @transform_0(%arg0: i32, %arg1: i32) -> i32 {
    %c0_i32 = arith.constant 0 : i32
    %c0_i32_0 = arith.constant 0 : i32
    return %c0_i32 : i32
  }
  func.func @transform_1(%arg0: i32, %arg1: i32) -> (i32, i32, i32) {
    %c0_i32 = arith.constant 0 : i32
    %c0_i32_0 = arith.constant 0 : i32
    return %arg0, %arg1, %c0_i32 : i32, i32, i32
  }
  func.func @transform_2(%arg0: i32, %arg1: i32) -> (i32, i32, i32) {
    %c0_i32 = arith.constant 0 : i32
    %c0_i32_0 = arith.constant 0 : i32
    return %arg0, %arg1, %c0_i32 : i32, i32, i32
  }
  func.func @transform_3(%arg0: i32, %arg1: i32) -> (i32, i32, i32) {
    %c0_i32 = arith.constant 0 : i32
    %c0_i32_0 = arith.constant 0 : i32
    return %arg0, %arg1, %c0_i32 : i32, i32, i32
  }
}

</mosaic_0001>

<sc_bundles>
// kernel: kernel.4.cloned.1.call-start
scs
__scs_entry_jumppad:
0x0: {  	(pc) =	sbr.rel $0x88, $3  }
0x1: {  	(tag) =	ssettag $0x0;
	lr =	simm.s32 $0x1  }
0x2: {  	[smem:$0x3F9E] =	sst lr;
	_ =	strace $0xD0000000  }
0x3: {  	_ = 	snop  }
0x4: {  	_ = 	snop  }
0x5: {  	_ = 	snop  }
0x6: {  	_ = 	snop  }
0x7: {  	_ = 	snop  }
__scs_overlays_trampoline_lowered:
0x8: {  	[smem:$0x3FAD] =	sst s0  }
0x9: {  	[smem:$0x3FAE] =	sst s1  }
0xa: {  	[smem:$0x3FAF] =	sst s2  }
0xb: {  	[smem:$0x3FB0] =	sst s3  }
0xc: {  	[smem:$0x3FB1] =	sst s4  }
0xd: {  	[smem:$0x3FB2] =	sst s5  }
0xe: {  	[smem:$0x3FB3] =	sst s6  }
0xf: {  	[smem:$0x3FB4] =	sst s7  }
0x10: {  	[smem:$0x3FB5] =	sst s8  }
0x11: {  	[smem:$0x3FB6] =	sst s9;
	s0 =	simm.s32 @!p0 $0x0  }
0x12: {  	s1 =	sld [smem:$0x3F9C];
	s0 =	simm.s32 @p0 $0x1  }
0x13: {  	[smem:$0x3FB7] =	sst s0;
	s0 =	simm.s32 @!p1 $0x0  }
0x14: {  	s2 =	sld [smem:$0x3F9B];
	s0 =	simm.s32 @p1 $0x1  }
0x15: {  	[smem:$0x3FB8] =	sst s0;
	s0 =	simm.s32 @!p2 $0x0  }
0x16: {  	s3 =	sld [smem:$0x3FDB];
	s0 =	simm.s32 @p2 $0x1  }
0x17: {  	s4 =	simm.s32 $0x1BF5;
	[smem:$0x3FBA] =	sst s0  }
0x18: {  	s0 =	sld [smem:$0x3F9D];
	_ =	swait.ge [sflag:s4], $0x0  }
0x19: {  	s7 =	sld [smem:$0x3F9E]  }
0x1a: {  	s8 =	sadd.s32 $0xFFFFE003, lr  }
0x1b: {  	s9 =	sadd.s32 $0xFFFFFEF7, lr;
	s5 =	simm.s32 $0xFFFFFFFF;
	p2 =	slt.u32 s8, $0xFFFFF086  }
0x1c: {  	p1 =	slt.u32 s9, $0xF7A;
	s5 =	simm.s32 @!p2 $0x0  }
0x1d: {  	s5 =	simm.s32 @p1 $0x1;
	p0 =	seq.s32 s7, s2  }
0x1e: {  	s7 =	smul.u32 @!p0 $0xF7A, s2;
	p2 =	seq.s32 @!p0 s5, $0x0  }
0x1f: {  	s9 =	smul.u32 $0xF7A, s1;
	s8 =	simm.s32 @!p0 $0x1BF5;
	p2 =	por !p2, p0  }
0x20: {  	[sflag:s8] =	ssyncset.s32 @!p0 $0xFFFFF086;
	s6 =	sadd.s32 @!p0 s3, s7;
	s7 =	simm.s32 @!p0 $0x108  }
0x21: {  	s3 =	sadd.s32 s3, s9;
	s6 =	sadd.s32 @!p0 $0x88, s6;
	s7 =	simm.s32 @p2 $0x1082  }
0x22: {  	[simem:s7], [sflag:s8] =	dma.local @!p0 [hbm:s6], $0xF7A  }
0x23: {  	s9 =	sor.u32 $0xD0000000, s2;
	s6 =	simm.s32 $0x108;
	_ =	swait.ge @!p0 [sflag:s8], $0x0  }
0x24: {  	s3 =	sadd.s32 $0x88, s3;
	s6 =	simm.s32 @!p1 $0x1082;
	[sflag:s4] =	ssyncset.s32 $0xFFFFF086  }
0x25: {  	[simem:s6], [sflag:s4] =	dma.local [hbm:s3], $0xF7A  }
0x26: {  	[smem:$0x3F9E] =	sst s1;
	(tag) =	ssettag s2;
	_ =	strace s9  }
0x27: {  	s1 =	sld [smem:$0x3FAE]  }
0x28: {  	s2 =	sld [smem:$0x3FAF]  }
0x29: {  	s4 =	sld [smem:$0x3FB1]  }
0x2a: {  	p0 =	seq.s32 s5, $0x0;
	s5 =	sld [smem:$0x3FB2]  }
0x2b: {  	s6 =	sld [smem:$0x3FB3]  }
0x2c: {  	s7 =	sld [smem:$0x3FB4]  }
0x2d: {  	s3 =	simm.s32 $0x108;
	s8 =	sld [smem:$0x3FB5]  }
0x2e: {  	s3 =	simm.s32 @!p0 $0x1082;
	s9 =	sld [smem:$0x3FB6]  }
0x2f: {  	lr =	sadd.s32 s0, s3;
	s0 =	sld [smem:$0x3FAD]  }
0x30: {  	s3 =	sld [smem:$0x3FB0]  }
0x31: {  	[smem:$0x3FB9] =	sst s10  }
0x32: {  	s10 =	sld [smem:$0x3FB7];
	_ =	sdelay $0x3  }
0x33: {  	p0 =	seq.s32 s10, $0x1;
	s10 =	sld [smem:$0x3FB9];
	_ =	sdelay $0x3  }
0x34: {  	[smem:$0x3FB9] =	sst s10  }
0x35: {  	s10 =	sld [smem:$0x3FB8];
	_ =	sdelay $0x3  }
0x36: {  	p1 =	seq.s32 s10, $0x1;
	s10 =	sld [smem:$0x3FB9];
	_ =	sdelay $0x3  }
0x37: {  	[smem:$0x3FB9] =	sst s10  }
0x38: {  	s10 =	sld [smem:$0x3FBA]  }
0x39: {  	_ = 	snop;
	(pc) =	sbr.ind lr, $3  }
0x3a: {  	_ = 	snop  }
0x3b: {  	_ = 	snop  }
0x3c: {  	p2 =	seq.s32 s10, $0x1;
	s10 =	sld [smem:$0x3FB9]  }
0x3d: {  	_ =	shalt  }
0x3e: {  	_ =	shalt  }
0x3f: {  	_ =	shalt  }
0x40: {  	_ =	shalt  }
0x41: {  	_ =	shalt  }
0x42: {  	_ =	shalt  }
0x43: {  	_ =	shalt  }
0x44: {  	_ =	shalt  }
0x45: {  	_ =	shalt  }
0x46: {  	_ =	shalt  }
0x47: {  	_ =	shalt  }
0x48: {  	_ =	shalt  }
0x49: {  	_ =	shalt  }
0x4a: {  	_ =	shalt  }
0x4b: {  	_ =	shalt  }
0x4c: {  	_ =	shalt  }
0x4d: {  	_ =	shalt  }
0x4e: {  	_ =	shalt  }
0x4f: {  	_ =	shalt  }
0x50: {  	_ =	shalt  }
0x51: {  	_ =	shalt  }
0x52: {  	_ =	shalt  }
0x53: {  	_ =	shalt  }
0x54: {  	_ =	shalt  }
0x55: {  	_ =	shalt  }
0x56: {  	_ =	shalt  }
0x57: {  	_ =	shalt  }
0x58: {  	_ =	shalt  }
0x59: {  	_ =	shalt  }
0x5a: {  	_ =	shalt  }
0x5b: {  	_ =	shalt  }
0x5c: {  	_ =	shalt  }
0x5d: {  	_ =	shalt  }
0x5e: {  	_ =	shalt  }
0x5f: {  	_ =	shalt  }
0x60: {  	_ =	shalt  }
0x61: {  	_ =	shalt  }
0x62: {  	_ =	shalt  }
0x63: {  	_ =	shalt  }
0x64: {  	_ =	shalt  }
0x65: {  	_ =	shalt  }
0x66: {  	_ =	shalt  }
0x67: {  	_ =	shalt  }
0x68: {  	_ =	shalt  }
0x69: {  	_ =	shalt  }
0x6a: {  	_ =	shalt  }
0x6b: {  	_ =	shalt  }
0x6c: {  	_ =	shalt  }
0x6d: {  	_ =	shalt  }
0x6e: {  	_ =	shalt  }
0x6f: {  	_ =	shalt  }
0x70: {  	_ =	shalt  }
0x71: {  	_ =	shalt  }
0x72: {  	_ =	shalt  }
0x73: {  	_ =	shalt  }
0x74: {  	_ =	shalt  }
0x75: {  	_ =	shalt  }
0x76: {  	_ =	shalt  }
0x77: {  	_ =	shalt  }
0x78: {  	_ =	shalt  }
0x79: {  	_ =	shalt  }
0x7a: {  	_ =	shalt  }
0x7b: {  	_ =	shalt  }
0x7c: {  	_ =	shalt  }
0x7d: {  	_ =	shalt  }
0x7e: {  	_ =	shalt  }
0x7f: {  	_ =	shalt  }
0x80: {  	_ =	shalt  }
0x81: {  	_ =	shalt  }
0x82: {  	_ =	shalt  }
0x83: {  	_ =	shalt  }
0x84: {  	_ =	shalt  }
0x85: {  	_ =	shalt  }
0x86: {  	_ =	shalt  }
0x87: {  	_ =	shalt  }
.Lfunc_end0:
.L_simem_size_0:
called_computation_lowered:
.L_overlay_start_0:
0x88: {  	s2 =	sld [smem:$0x3FD9]  }
0x89: {  	s3 =	sld [smem:$0x3FFE];
	_ =	sdelay $0x1  }
0x8a: {  	s1 =	srdreg.scid  }
0x8b: {  	s0 =	sand.u32 $0x1, s1  }
0x8c: {  	s15 =	sshll.u32 s0, $0xA;
	s2 =	sadd.s32 s3, s2  }
0x8d: {  	s2 =	sadd.s32 s2, s15  }
0x8e: {  	[smem:$0x3FC5] =	sst s2  }
0x8f: {  	_ = 	snop  }
0x90: {  	s2 =	sld [smem:$0x3FD0];
	_ =	sdelay $0x1  }
0x91: {  	s16 =	sld [smem:$0x3FC8]  }
0x92: {  	s5 =	simm.s32 $0xA;
	s6 =	simm.s32 $0x10;
	s4 =	sld [smem:$0x3FC7]  }
0x93: {  	[smem:s6], [sflag:s5] =	dma.local [hbm:s2], $0x1  }
0x94: {  	_ =	swait.eq [sflag:s5], $0x1  }
0x95: {  	[sflag:s5] =	ssyncset.done $0x0  }
0x96: {  	[sflag:s5] =	ssyncadd.s32 $0xFFFFFFFF  }
0x97: {  	s17 =	sld [smem:$0x11];
	(tm) =	ssettm $0x1  }
0x98: {  	s18 =	sld [smem:$0x3FFB];
	_ =	sdelay $0x3  }
0x99: {  	_ =	strace s18  }
0x9a: {  	s5 =	sld [smem:$0x3FFC];
	_ =	sdelay $0x3  }
0x9b: {  	_ =	strace s5  }
0x9c: {  	s5 =	sld [smem:$0x3FFD];
	_ =	sdelay $0x3  }
0x9d: {  	_ =	strace s5  }
0x9e: {  	_ =	strace $0x8FFFFFFF  }
0x9f: {  	s19 =	sld [smem:$0x3FDB];
	_ =	sdelay $0x1  }
0xa0: {  	s20 =	simm.s32 $_scs_section_size  }
0xa1: {  	s7 =	simm.s32 $_size__tile_overlayer_lowered;
	s8 =	simm.s32 $_tile_overlayer_lowered  }
0xa2: {  	s23 =	simm.s32 $0x1BFF;
	s22 =	sshll.u32 s8, $0x1;
	s5 =	sadd.s32 s20, s19  }
0xa3: {  	s9 =	simm.s32 $0x0;
	s21 =	sshll.u32 s7, $0x1;
	s7 =	sadd.s32 s22, s5  }
0xa4: {  	[timem:s9], [sflag:s23] =	dma.local [hbm:s7], s21  }
0xa5: {  	_ =	swait.ge [sflag:s23], s21  }
0xa6: {  	s6 =	ssub.s32 $0x0, s21;
	[sflag:s23] =	ssyncset.done $0x0  }
0xa7: {  	[sflag:s23] =	ssyncadd.s32 s6;
	_ =	sdelay $0x1  }
0xa8: {  	s24 =	simm.s32 $0x1B8B  }
0xa9: {  	_ =	swait.ge [sflag:s24], $0x1  }
0xaa: {  	[sflag:s24] =	ssyncset.done $0x0  }
0xab: {  	s25 =	simm.s32 $0x1B8E;
	[sflag:s24] =	ssyncadd.s32 $0xFFFFFFFF  }
0xac: {  	s26 =	simm.s32 $execute0_lowered;
	[smem:$0x3FD2] =	sst s25  }
0xad: {  	s6 =	sshll.u32 s26, $0x1;
	_ =	strace $0x80000046;
	[dreg:$0x1] =	wrdreg $0xFFFFFFFF  }
0xae: {  	s28 =	simm.s32 $_size_execute0_lowered;
	s5 =	sadd.s32 s5, s6;
	[dreg:$0x0] =	wrdreg $0x0  }
0xaf: {  	s6 =	sshll.u32 s28, $0x1;
	[dreg:$0x2] =	wrdreg s5  }
0xb0: {  	[dreg:$0x3] =	wrdreg s6  }
0xb1: {  	[dreg:$0x4] =	wrdreg $0xC0  }
0xb2: {  	_ =	task [dreg:s9], $0x5FFFF  }
0xb3: {  	[dreg:$0x1] =	wrdreg $0xFFFFFFFF  }
0xb4: {  	[dreg:$0x0] =	wrdreg $0x60  }
0xb5: {  	[dreg:$0x2] =	wrdreg s16  }
0xb6: {  	[dreg:$0x3] =	wrdreg s4  }
0xb7: {  	[dreg:$0x4] =	wrdreg s17  }
0xb8: {  	[dreg:$0x5] =	wrdreg $0x9  }
0xb9: {  	_ =	task.clear_ibuf [dreg:s9], $0x6FFFF;
	_ =	strace $0x90000046  }
0xba: {  	s29 =	simm.s32 $0x9;
	_ =	strace $0x80000048  }
0xbb: {  	_ =	swait.ge [sflag:s29], $0x1  }
0xbc: {  	[sflag:s29] =	ssyncadd.s32 $0xFFFFFFFF  }
0xbd: {  	_ =	strace $0x90000048  }
0xbe: {  	_ =	sfence  }
0xbf: {  	s30 =	sld [smem:$0x0];
	_ =	sdelay $0x2  }
0xc0: {  	s31 =	sshll.u32 s1, $0xD;
	s1 =	sshrl.u32 s1, $0x2  }
0xc1: {  	s3 =	sand.u32 $0x4000, s31;
	s1 =	sadd.s32 s1, s30  }
0xc2: {  	s0 =	sor.u32 s3, s0;
	s1 =	sshll.u32 s1, $0x11  }
0xc3: {  	s0 =	sor.u32 s1, s0  }
0xc4: {  	s0 =	sadd.s32 $0x8F2B, s0  }
0xc5: {  	[sflag:s0] =	ssyncadd.remote.s32 $0x1  }
0xc6: {  	_ =	sfence.sel $0xFFFF  }
0xc7: {  	[dreg:$0x0] =	wrdreg $0xFFFFFFFF;
	(pc) =	sbr.abs _section_cstart, $3  }
0xc8: {  	[dreg:$0x1] =	wrdreg $0xFFFFFFFF  }
0xc9: {  	_ =	task.clear_ibuf [dreg:s9], $0x2FFFF;
	_ =	strace $0x9FFFFFFF  }
0xca: {  	(tm) =	ssettm $0x7FFFFFFF  }
0xcb: {  	_ =	shalt  }
tec
execute0_lowered:
.L_overlay_start_1:
0x0: {  	(tag) =	ssettag $0x1  }
0x1: {  	s0 =	srdreg.scid  }
0x2: {  	s10 =	sand.u32 $0x1, s0;
	s0 =	stileid.u32  }
0x3: {  	s5 =	sor.u32 s0, s10  }
0x4: {  	p0 =	sne.s32 s5, $0x0  }
.Ltmp0:
0x5: {  	_ = 	snop;
	(pc) =	sbr.rel @p0 .LBB2_4-.Ltmp0, $4  }
0x6: {  	s2 =	rddreg [dreg:$0x0]  }
0x7: {  	s3 =	rddreg [dreg:$0x1]  }
0x8: {  	s4 =	rddreg [dreg:$0x2]  }
0x9: {  	s1 =	rddreg [dreg:$0x3];
	_ =	strace $0x80000047  }
0xa: {  	s6 =	simm.s32 $0x0;
	s5 =	simm.s32 $0x2  }
0xb: {  	[tilespmem:s6], [sflag:$0x2] =	stream.linear.gather [hbm4b:s2+s6], $0x80, $0x38;
	[tilespmem:$0x100] =	vst v63  }
0xc: {  	s7 =	simm.s32 $0x40;
	s10 =	ssub.s32 $0x2, s10;
	_ =	swait.ge [sflag:s5], $0x80  }
0xd: {  	s8 =	simm.s32 $0x80;
	s11 =	sshrl.u32 s10, $0x1;
	[sflag:s5] =	ssyncset.done $0x0  }
0xe: {  	s9 =	simm.s32 $0x1;
	s10 =	ssub.s32 s10, s11;
	[sflag:s5] =	ssyncadd.s32 $0xFFFFFF80  }
0xf: {  	[tilespmem:s8], [sflag:$0x1] =	stream.indirect.gather [hbm4b:s3+s7], $0x1, s6, s7, $0xb8;
	[tilespmem:$0x100] =	vst v63  }
0x10: {  	p0 =	sne.s32 s10, $0x1;
	_ =	swait.ge [sflag:s9], $0x40  }
.Ltmp1:
0x11: {  	[sflag:s9] =	ssyncset.done $0x0;
	(pc) =	sbr.rel @!p0 .LBB2_3-.Ltmp1, $4  }
0x12: {  	[sflag:s9] =	ssyncadd.s32 $0xFFFFFFC0  }
0x13: {  	[hbm4b:s4+s6] =	stream.linear.scatter [tilespmem:s8], [sflag:$0x2], $0x80, $0x38;
	[tilespmem:$0x100] =	vst v63  }
0x14: {  	_ =	swait.ge [sflag:s5], $0x80  }
0x15: {  	s10 =	sadd.s32 $0xFFFFFFFF, s10;
	[sflag:s5] =	ssyncset.done $0x0  }
.LBB2_2:
0x16: {  	p0 =	sne.s32 s10, $0x1;
	s10 =	sadd.s32 $0xFFFFFFFF, s10;
	[sflag:s5] =	ssyncadd.s32 $0xFFFFFF80  }
0x17: {  	[tilespmem:s6], [sflag:$0x2] =	stream.linear.gather [hbm4b:s2+s6], $0x80, $0x38;
	[tilespmem:$0x100] =	vst v63  }
0x18: {  	_ =	swait.ge [sflag:s5], $0x80  }
0x19: {  	[sflag:s5] =	ssyncset.done $0x0  }
0x1a: {  	[sflag:s5] =	ssyncadd.s32 $0xFFFFFF80  }
0x1b: {  	[tilespmem:s8], [sflag:$0x1] =	stream.indirect.gather [hbm4b:s3+s7], $0x1, s6, s7, $0xb8;
	[tilespmem:$0x100] =	vst v63  }
0x1c: {  	_ =	swait.ge [sflag:s9], $0x40  }
.Ltmp2:
0x1d: {  	[sflag:s9] =	ssyncset.done $0x0;
	(pc) =	sbr.rel @p0 .LBB2_2-.Ltmp2, $4  }
0x1e: {  	[sflag:s9] =	ssyncadd.s32 $0xFFFFFFC0  }
0x1f: {  	[hbm4b:s4+s6] =	stream.linear.scatter [tilespmem:s8], [sflag:$0x2], $0x80, $0x38;
	[tilespmem:$0x100] =	vst v63  }
0x20: {  	_ =	swait.ge [sflag:s5], $0x80  }
0x21: {  	[sflag:s5] =	ssyncset.done $0x0  }
.LBB2_3:
0x22: {  	[sflag:s5] =	ssyncadd.s32 $0xFFFFFF80  }
.LBB2_4:
0x23: {  	_ =	sfence.sel $0x180000  }
0x24: {  	[bflag:$0x0] =	sbarrier.arrive $0xFFFF  }
0x25: {  	p0 =	sne.s32 s0, $0x0;
	_ =	strace $0x90000047  }
0x26: {  	s0 =	sadd.s32 @!p0 $0x100000, s1;
	[bflag:$0x2] =	sbarrier.arrive $0xFFFF  }
0x27: {  	[sflag:s0] =	ssyncadd.tile.s32 @!p0 $0x1;
	_ =	shalt  }
.Lfunc_end2:
_tile_overlayer_lowered:
.L_overlay_start_2:
0x28: {  	(tag) =	ssettag $0x2  }
0x29: {  	s0 =	rddreg [dreg:$0x0];
	s2 =	stileid.u32  }
0x2a: {  	s1 =	rddreg [dreg:$0x1];
	p0 =	sne.s32 s2, $0x0  }
0x2b: {  	s3 =	rddreg [dreg:$0x2];
	[bflag:$0x3] =	sbarrier.arrive $0xFFFF;
	s2 =	simm.s32 @!p0 $0x1C02  }
0x2c: {  	[timem:s3], [sflag:s2] =	dma.local @!p0 [hbm:s0], s1  }
0x2d: {  	s0 =	simm.s32 @!p0 $0x2  }
0x2e: {  	_ =	swait.ge @!p0 [sflag:s0], s1  }
0x2f: {  	s1 =	ssub.s32 @!p0 $0x0, s1;
	[sflag:s0] =	ssyncset.done @!p0 $0x0  }
0x30: {  	[sflag:s0] =	ssyncadd.s32 @!p0 s1  }
0x31: {  	[bflag:$0x3] =	sbarrier.arrive $0xFFFF  }
0x32: {  	_ =	shalt  }

</sc_bundles>
